<compile_context>
chip_gen: v7x
topology: tpu7x:2x2x1
jax: 0.10.2.dev20260603
libtpu: 0.0.44.dev20260713+nightly
codegen_flags: <defaults>
</compile_context>

<pallas_src>
import functools

import jax
import jax.numpy as jnp
import numpy as np
from jax import lax
from jax.experimental import pallas as pl
from jax.experimental.pallas import tpu as pltpu
from jax.experimental.pallas import tpu_sc as plsc

_N = 10000
_E = 320000
_NFEAT = 128
_NLABEL = 40
_NHID = 256
_HIDX = 16

_R = 10000

_NC = 2
_NS = 16
_NW = _NC * _NS
_CH = _E // _NW


def _dense_body(x_ref, ym_ref, w1_ref, b1_ref, w2_ref, b2_ref,
                wx_ref, bx_ref, we_ref, be_ref,
                ylp_ref, a_ref, b_ref):
    x = x_ref[...]
    h = jnp.maximum(
        jnp.dot(x, w1_ref[...], preferred_element_type=jnp.float32)
        + b1_ref[...], 0.0)
    logits = (jnp.dot(h, w2_ref[...], preferred_element_type=jnp.float32)
              + b2_ref[...])
    m = jnp.max(logits, axis=1, keepdims=True)
    e = jnp.exp(logits - m)
    s = jnp.sum(e, axis=1, keepdims=True)
    ylp_ref[...] = logits - (jnp.log(s) + m)
    ym = ym_ref[...]
    labels = lax.broadcasted_iota(jnp.int32, (1, _NLABEL), 1)
    onehot = (labels == ym).astype(jnp.float32)
    xe = jnp.maximum(
        jnp.dot(x, wx_ref[...], preferred_element_type=jnp.float32)
        + bx_ref[...], 0.0)
    wy = jnp.concatenate(
        [we_ref[2 * _HIDX:2 * _HIDX + _NLABEL],
         we_ref[2 * _HIDX + _NLABEL:]], axis=1)
    yqk_soft = jnp.dot(e, wy, preferred_element_type=jnp.float32) / s
    yqk_train = jnp.dot(onehot, wy, preferred_element_type=jnp.float32)
    yqk = jnp.where(ym >= 0, yqk_train, yqk_soft)
    wx2 = jnp.concatenate(
        [we_ref[0:_HIDX], we_ref[_HIDX:2 * _HIDX]], axis=1)
    xqk = jnp.dot(xe, wx2, preferred_element_type=jnp.float32)
    ab = xqk + yqk
    a_ref[...] = ab[:, 0:1] + be_ref[...]
    b_ref[...] = ab[:, 1:2]


_DENSE_IN_SPECS = [
    pl.BlockSpec((_R, _NFEAT), lambda i: (i, 0)),
    pl.BlockSpec((_R, 1), lambda i: (i, 0)),
    pl.BlockSpec((_NFEAT, _NHID), lambda i: (0, 0)),
    pl.BlockSpec((1, _NHID), lambda i: (0, 0)),
    pl.BlockSpec((_NHID, _NLABEL), lambda i: (0, 0)),
    pl.BlockSpec((1, _NLABEL), lambda i: (0, 0)),
    pl.BlockSpec((_NFEAT, _HIDX), lambda i: (0, 0)),
    pl.BlockSpec((1, _HIDX), lambda i: (0, 0)),
    pl.BlockSpec((2 * _HIDX + 2 * _NLABEL, 1), lambda i: (0, 0)),
    pl.BlockSpec((1, 1), lambda i: (0, 0)),
]
_DENSE_OUT_SPECS = [
    pl.BlockSpec((_R, _NLABEL), lambda i: (i, 0)),
    pl.BlockSpec((_R, 1), lambda i: (i, 0)),
    pl.BlockSpec((_R, 1), lambda i: (i, 0)),
]
_DENSE_OUT_SHAPE = [
    jax.ShapeDtypeStruct((_N, _NLABEL), jnp.float32),
    jax.ShapeDtypeStruct((_N, 1), jnp.float32),
    jax.ShapeDtypeStruct((_N, 1), jnp.float32),
]

_dense_call = pl.pallas_call(
    _dense_body,
    grid=(_N // _R,),
    in_specs=_DENSE_IN_SPECS,
    out_specs=_DENSE_OUT_SPECS,
    out_shape=_DENSE_OUT_SHAPE,
)


@functools.lru_cache(maxsize=None)
def _make_edge_kernel():
    mesh = plsc.VectorSubcoreMesh(core_axis_name="c", subcore_axis_name="s")

    @functools.partial(
        pl.kernel,
        mesh=mesh,
        compiler_params=pltpu.CompilerParams(needs_layout_passes=False),
        out_type=(jax.ShapeDtypeStruct((_E,), jnp.float32),
                  jax.ShapeDtypeStruct((_E,), jnp.float32)),
        scratch_types=[
            pltpu.VMEM((_N,), jnp.float32),
            pltpu.VMEM((_N,), jnp.float32),
            pltpu.VMEM((_CH,), jnp.int32),
            pltpu.VMEM((_CH,), jnp.int32),
            pltpu.VMEM((_CH,), jnp.int32),
            pltpu.VMEM((_CH,), jnp.int32),
            pltpu.VMEM((_CH,), jnp.float32),
            pltpu.VMEM((_CH,), jnp.float32),
            pltpu.SemaphoreType.DMA,
            pltpu.SemaphoreType.DMA,
            pltpu.SemaphoreType.DMA,
        ],
    )
    def _edge_kernel(a_hbm, b_hbm, p_hbm, n_hbm,
                     pos_out, neg_out, a_v, b_v, i0p_v, i1p_v, i0n_v, i1n_v,
                     op_v, on_v, sem_t, sem_p, sem_n):
        wid = lax.axis_index("s") * _NC + lax.axis_index("c")
        base = wid * _CH
        ta = pltpu.async_copy(a_hbm, a_v, sem_t)
        tb = pltpu.async_copy(b_hbm, b_v, sem_t)
        p0 = pltpu.async_copy(p_hbm.at[pl.ds(base, _CH)], i0p_v, sem_p)
        p1 = pltpu.async_copy(p_hbm.at[pl.ds(_E + base, _CH)], i1p_v, sem_p)
        n0 = pltpu.async_copy(n_hbm.at[pl.ds(base, _CH)], i0n_v, sem_n)
        n1 = pltpu.async_copy(n_hbm.at[pl.ds(_E + base, _CH)], i1n_v, sem_n)
        ta.wait()
        tb.wait()
        p0.wait()
        p1.wait()

        @plsc.parallel_loop(0, _CH, 16, unroll=25)
        def body_p(s):
            i0 = i0p_v[pl.ds(s, 16)]
            i1 = i1p_v[pl.ds(s, 16)]
            op_v[pl.ds(s, 16)] = (plsc.load_gather(a_v, [i0])
                                  + plsc.load_gather(b_v, [i1]))

        op = pltpu.async_copy(op_v, pos_out.at[pl.ds(base, _CH)], sem_p)
        n0.wait()
        n1.wait()

        @plsc.parallel_loop(0, _CH, 16, unroll=25)
        def body_n(s):
            i0 = i0n_v[pl.ds(s, 16)]
            i1 = i1n_v[pl.ds(s, 16)]
            on_v[pl.ds(s, 16)] = (plsc.load_gather(a_v, [i0])
                                  + plsc.load_gather(b_v, [i1]))

        op.wait()
        pltpu.sync_copy(on_v, neg_out.at[pl.ds(base, _CH)])

    return _edge_kernel


def _rotl32(x, r):
    return ((x << np.uint32(r)) | (x >> np.uint32(32 - r))).astype(np.uint32)


def _tf_cipher(k0, k1, x0, x1):
    x0 = x0.astype(np.uint32).copy()
    x1 = x1.astype(np.uint32).copy()
    ks = [np.uint32(k0), np.uint32(k1),
          np.uint32(np.uint32(k0) ^ np.uint32(k1) ^ np.uint32(0x1BD11BDA))]
    rotations = [(13, 15, 26, 6), (17, 29, 16, 24)]
    with np.errstate(over="ignore"):
        x0 += ks[0]
        x1 += ks[1]
        for i in range(5):
            for r in rotations[i % 2]:
                x0 += x1
                x1 = _rotl32(x1, r)
                x1 ^= x0
            x0 += ks[(i + 1) % 3]
            x1 += ks[(i + 2) % 3] + np.uint32(i + 1)
    return x0, x1


def _np_randint_threefry(seed, shape, minval, maxval):
    k0 = np.uint32(np.uint64(seed) >> np.uint64(32))
    k1 = np.uint32(np.uint64(seed) & np.uint64(0xFFFFFFFF))
    b1, b2 = _tf_cipher(k0, k1, np.zeros(2, np.uint32),
                        np.arange(2, dtype=np.uint32))
    size = int(np.prod(shape))
    idx = np.arange(size, dtype=np.uint64)
    c1 = (idx >> np.uint64(32)).astype(np.uint32)
    c2 = (idx & np.uint64(0xFFFFFFFF)).astype(np.uint32)
    h1, h2 = _tf_cipher(b1[0], b2[0], c1, c2)
    l1, l2 = _tf_cipher(b1[1], b2[1], c1, c2)
    hi, lo = h1 ^ h2, l1 ^ l2
    span = np.uint32(maxval - minval)
    with np.errstate(over="ignore"):
        mult = np.uint32(np.uint64(2) ** np.uint64(16) % np.uint64(span))
        mult = np.uint32((np.uint64(mult) * np.uint64(mult)) % np.uint64(span))
        off = ((hi % span) * mult + (lo % span)) % span
    return (np.int32(minval) + off.astype(np.int32)).reshape(shape)


_NEG = _np_randint_threefry(1234, (2, _E), 0, _N)


def kernel(x, y, adj, train_mask, W1, b1, W2, b2, Wx, bx, We, be):
    ym = jnp.where(train_mask, y, -1).astype(jnp.int32)[:, None]
    ylp, a2, b2_ = _dense_call(
        x, ym, W1, b1[None, :], W2, b2[None, :], Wx, bx[None, :],
        We, be[None, :])
    pos, negv = _make_edge_kernel()(a2.reshape(_N), b2_.reshape(_N),
                                    adj.astype(jnp.int32).reshape(2 * _E),
                                    jnp.asarray(_NEG.reshape(2 * _E)))
    return pos[:, None], negv[:, None], ylp

# --- scband reference (transcript-rebuilt; emitter-appended) ---
"""Pipeline reference for scband-g3-nn-model-36773509988810 (READ-ONLY COPY).

The authoritative reference and input builder live on the scoring server;
editing this copy changes nothing except your own understanding.
"""

import jax, jax.numpy as jnp
import numpy as np

N = 10000
E = 320000
NFEAT = 128
NLABEL = 40
NHID = 256
HIDX = 16
NEG_RATIO = 1.0


def setup_inputs(seed: int = 0) -> dict:
    key = jax.random.key(seed)
    ks = jax.random.split(key, 12)
    x = jax.random.normal(ks[0], (N, NFEAT), dtype=jnp.float32)
    y = jax.random.randint(ks[1], (N,), 0, NLABEL)
    adj = jax.random.randint(ks[2], (2, E), 0, N)
    train_mask = jax.random.randint(ks[3], (N,), 0, 2).astype(bool)
    # MLP p_y_x: 2 layers, nfeat -> nhid -> nlabel
    W1 = jax.random.normal(ks[4], (NFEAT, NHID), dtype=jnp.float32) / np.sqrt(NFEAT)
    b1 = jnp.zeros((NHID,), dtype=jnp.float32)
    W2 = jax.random.normal(ks[5], (NHID, NLABEL), dtype=jnp.float32) / np.sqrt(NHID)
    b2 = jnp.zeros((NLABEL,), dtype=jnp.float32)
    # x_enc: Linear(nfeat, hid_x)
    Wx = jax.random.normal(ks[6], (NFEAT, HIDX), dtype=jnp.float32) / np.sqrt(NFEAT)
    bx = jnp.zeros((HIDX,), dtype=jnp.float32)
    # p_e_xy: Linear(2*(hid_x+nlabel), 1)
    D_E = 2 * (HIDX + NLABEL)
    We = jax.random.normal(ks[7], (D_E, 1), dtype=jnp.float32) / np.sqrt(D_E)
    be = jnp.zeros((1,), dtype=jnp.float32)
    return {"x": x, "y": y, "adj": adj, "train_mask": train_mask,
            "W1": W1, "b1": b1, "W2": W2, "b2": b2,
            "Wx": Wx, "bx": bx, "We": We, "be": be}


def reference(x, y, adj, train_mask, W1, b1, W2, b2, Wx, bx, We, be):
    # p_y_x MLP (2 layers, relu, no BN)
    h = jax.nn.relu(x @ W1 + b1)
    logits = h @ W2 + b2
    y_log_prob = jax.nn.log_softmax(logits, axis=1)
    y_prob = jnp.exp(y_log_prob)
    one_hot = jax.nn.one_hot(y, NLABEL, dtype=y_prob.dtype)
    y_prob = jnp.where(train_mask[:, None], one_hot, y_prob)
    # dropout is identity in eval mode
    xe = jax.nn.relu(x @ Wx + bx)
    # positive edges: gather node features/labels by edge endpoints
    y_query = jnp.take(y_prob, adj[0], axis=0)
    y_key = jnp.take(y_prob, adj[1], axis=0)
    x_query = jnp.take(xe, adj[0], axis=0)
    x_key = jnp.take(xe, adj[1], axis=0)
    xy = jnp.concatenate([x_query, x_key, y_query, y_key], axis=1)
    e_pred_pos = xy @ We + be
    # negative sampling (fixed key for determinism)
    num_edges_neg = int(NEG_RATIO * E)
    edge_index_neg = jax.random.randint(jax.random.key(1234), (2, num_edges_neg), 0, N)
    y_query_n = jnp.take(y_prob, edge_index_neg[0], axis=0)
    y_key_n = jnp.take(y_prob, edge_index_neg[1], axis=0)
    x_query_n = jnp.take(xe, edge_index_neg[0], axis=0)
    x_key_n = jnp.take(xe, edge_index_neg[1], axis=0)
    xy_n = jnp.concatenate([x_query_n, x_key_n, y_query_n, y_key_n], axis=1)
    e_pred_neg = xy_n @ We + be
    return (e_pred_pos, e_pred_neg, y_log_prob)

if __name__ == "__main__":
    import jax
    _d = setup_inputs()
    print(jax.jit(kernel)(*tuple(_d.values())))

</pallas_src>

<mosaic_0001>
#map = affine_map<(d0, d1) -> (0)>
module attributes {stable_mosaic.version = 14 : i64} {
  func.func @_edge_kernel(%arg0: i32, %arg1: i32, %arg2: memref<10000xf32, #tpu.memory_space<hbm>>, %arg3: memref<10000xf32, #tpu.memory_space<hbm>>, %arg4: memref<640000xi32, #tpu.memory_space<hbm>>, %arg5: memref<640000xi32, #tpu.memory_space<hbm>>, %arg6: memref<320000xf32, #tpu.memory_space<hbm>>, %arg7: memref<320000xf32, #tpu.memory_space<hbm>>, %arg8: memref<10000xf32, #tpu.memory_space<vmem>>, %arg9: memref<10000xf32, #tpu.memory_space<vmem>>, %arg10: memref<10000xi32, #tpu.memory_space<vmem>>, %arg11: memref<10000xi32, #tpu.memory_space<vmem>>, %arg12: memref<10000xi32, #tpu.memory_space<vmem>>, %arg13: memref<10000xi32, #tpu.memory_space<vmem>>, %arg14: memref<10000xf32, #tpu.memory_space<vmem>>, %arg15: memref<10000xf32, #tpu.memory_space<vmem>>, %arg16: memref<!tpu.dma_semaphore, #tpu.memory_space<semaphore_mem>>, %arg17: memref<!tpu.dma_semaphore, #tpu.memory_space<semaphore_mem>>, %arg18: memref<!tpu.dma_semaphore, #tpu.memory_space<semaphore_mem>>) attributes {dimension_semantics = [#tpu.dimension_semantics<core_parallel>, #tpu.dimension_semantics<subcore_parallel>], iteration_bounds = array<i64: 2, 16>, scalar_prefetch = 0 : i64, scratch_operands = 11 : i64, tpu.core_type = #tpu.core_type<sc_vector_subcore>, window_params = [{transform_indices = #map}, {transform_indices = #map}, {transform_indices = #map}, {transform_indices = #map}, {transform_indices = #map}, {transform_indices = #map}]} {
    %mul3A = arith.constant 2 : i32
    %mul3A_0 = arith.muli %arg1, %mul3A : i32
    %add3A = arith.addi %mul3A_0, %arg0 : i32
    %mul3A_1 = arith.constant 10000 : i32
    %mul3A_2 = arith.muli %add3A, %mul3A_1 : i32
    tpu.enqueue_dma source(%arg2 : memref<10000xf32, #tpu.memory_space<hbm>>) target(%arg8 : memref<10000xf32, #tpu.memory_space<vmem>>) target_semaphore(%arg16 : memref<!tpu.dma_semaphore, #tpu.memory_space<semaphore_mem>>)
    tpu.enqueue_dma source(%arg3 : memref<10000xf32, #tpu.memory_space<hbm>>) target(%arg9 : memref<10000xf32, #tpu.memory_space<vmem>>) target_semaphore(%arg16 : memref<!tpu.dma_semaphore, #tpu.memory_space<semaphore_mem>>)
    %dma_start3A = tpu.memref_slice %arg4[%mul3A_2] : memref<640000xi32, #tpu.memory_space<hbm>> -> memref<10000xi32, #tpu.memory_space<hbm>>
    %dma_start3A_3 = tpu.memref_slice %arg4[%mul3A_2] : memref<640000xi32, #tpu.memory_space<hbm>> -> memref<10000xi32, #tpu.memory_space<hbm>>
    tpu.enqueue_dma source(%dma_start3A_3 : memref<10000xi32, #tpu.memory_space<hbm>>) target(%arg10 : memref<10000xi32, #tpu.memory_space<vmem>>) target_semaphore(%arg17 : memref<!tpu.dma_semaphore, #tpu.memory_space<semaphore_mem>>)
    %add3A_4 = arith.constant 320000 : i32
    %add3A_5 = arith.addi %add3A_4, %mul3A_2 : i32
    %dma_start3A_6 = tpu.memref_slice %arg4[%add3A_5] : memref<640000xi32, #tpu.memory_space<hbm>> -> memref<10000xi32, #tpu.memory_space<hbm>>
    %dma_start3A_7 = tpu.memref_slice %arg4[%add3A_5] : memref<640000xi32, #tpu.memory_space<hbm>> -> memref<10000xi32, #tpu.memory_space<hbm>>
    tpu.enqueue_dma source(%dma_start3A_7 : memref<10000xi32, #tpu.memory_space<hbm>>) target(%arg11 : memref<10000xi32, #tpu.memory_space<vmem>>) target_semaphore(%arg17 : memref<!tpu.dma_semaphore, #tpu.memory_space<semaphore_mem>>)
    %dma_start3A_8 = tpu.memref_slice %arg5[%mul3A_2] : memref<640000xi32, #tpu.memory_space<hbm>> -> memref<10000xi32, #tpu.memory_space<hbm>>
    %dma_start3A_9 = tpu.memref_slice %arg5[%mul3A_2] : memref<640000xi32, #tpu.memory_space<hbm>> -> memref<10000xi32, #tpu.memory_space<hbm>>
    tpu.enqueue_dma source(%dma_start3A_9 : memref<10000xi32, #tpu.memory_space<hbm>>) target(%arg12 : memref<10000xi32, #tpu.memory_space<vmem>>) target_semaphore(%arg18 : memref<!tpu.dma_semaphore, #tpu.memory_space<semaphore_mem>>)
    %add3A_10 = arith.constant 320000 : i32
    %add3A_11 = arith.addi %add3A_10, %mul3A_2 : i32
    %dma_start3A_12 = tpu.memref_slice %arg5[%add3A_11] : memref<640000xi32, #tpu.memory_space<hbm>> -> memref<10000xi32, #tpu.memory_space<hbm>>
    %dma_start3A_13 = tpu.memref_slice %arg5[%add3A_11] : memref<640000xi32, #tpu.memory_space<hbm>> -> memref<10000xi32, #tpu.memory_space<hbm>>
    tpu.enqueue_dma source(%dma_start3A_13 : memref<10000xi32, #tpu.memory_space<hbm>>) target(%arg13 : memref<10000xi32, #tpu.memory_space<vmem>>) target_semaphore(%arg18 : memref<!tpu.dma_semaphore, #tpu.memory_space<semaphore_mem>>)
    tpu.wait_dma2 semaphore(%arg16 : memref<!tpu.dma_semaphore, #tpu.memory_space<semaphore_mem>>) src(%arg2 : memref<10000xf32, #tpu.memory_space<hbm>>) dst(%arg8 : memref<10000xf32, #tpu.memory_space<vmem>>)
    tpu.wait_dma2 semaphore(%arg16 : memref<!tpu.dma_semaphore, #tpu.memory_space<semaphore_mem>>) src(%arg3 : memref<10000xf32, #tpu.memory_space<hbm>>) dst(%arg9 : memref<10000xf32, #tpu.memory_space<vmem>>)
    %dma_wait3A = tpu.memref_slice %arg4[%mul3A_2] : memref<640000xi32, #tpu.memory_space<hbm>> -> memref<10000xi32, #tpu.memory_space<hbm>>
    %dma_wait3A_14 = tpu.memref_slice %arg4[%mul3A_2] : memref<640000xi32, #tpu.memory_space<hbm>> -> memref<10000xi32, #tpu.memory_space<hbm>>
    tpu.wait_dma2 semaphore(%arg17 : memref<!tpu.dma_semaphore, #tpu.memory_space<semaphore_mem>>) src(%dma_wait3A_14 : memref<10000xi32, #tpu.memory_space<hbm>>) dst(%arg10 : memref<10000xi32, #tpu.memory_space<vmem>>)
    %dma_wait3A_15 = tpu.memref_slice %arg4[%add3A_5] : memref<640000xi32, #tpu.memory_space<hbm>> -> memref<10000xi32, #tpu.memory_space<hbm>>
    %dma_wait3A_16 = tpu.memref_slice %arg4[%add3A_5] : memref<640000xi32, #tpu.memory_space<hbm>> -> memref<10000xi32, #tpu.memory_space<hbm>>
    tpu.wait_dma2 semaphore(%arg17 : memref<!tpu.dma_semaphore, #tpu.memory_space<semaphore_mem>>) src(%dma_wait3A_16 : memref<10000xi32, #tpu.memory_space<hbm>>) dst(%arg11 : memref<10000xi32, #tpu.memory_space<vmem>>)
    %parallel_loop3A = arith.constant 0 : i32
    %parallel_loop3A_17 = arith.constant 10000 : i32
    %parallel_loop3A_18 = arith.constant 16 : i32
    scf.for %parallel_loop3A_30 = %parallel_loop3A to %parallel_loop3A_17 step %parallel_loop3A_18  : i32 {
      %parallel_loop3A_31 = arith.index_cast %parallel_loop3A_30 : i32 to index
      %parallel_loop3A_32 = tpu.vector_load %arg10[%parallel_loop3A_31] {strides = array<i32>} : memref<10000xi32, #tpu.memory_space<vmem>>, vector<16xi32>,
      %parallel_loop3A_33 = arith.index_cast %parallel_loop3A_30 : i32 to index
      %parallel_loop3A_34 = tpu.vector_load %arg11[%parallel_loop3A_33] {strides = array<i32>} : memref<10000xi32, #tpu.memory_space<vmem>>, vector<16xi32>,
      %parallel_loop3A_35 = tpu.vector_load_idx %arg8[%parallel_loop3A_32] : memref<10000xf32, #tpu.memory_space<vmem>>[vector<16xi32>], vector<16xf32>,
      %parallel_loop3A_36 = tpu.vector_load_idx %arg9[%parallel_loop3A_34] : memref<10000xf32, #tpu.memory_space<vmem>>[vector<16xi32>], vector<16xf32>,
      %parallel_loop3A_37 = arith.addf %parallel_loop3A_35, %parallel_loop3A_36 : vector<16xf32>
      %parallel_loop3A_38 = arith.index_cast %parallel_loop3A_30 : i32 to index
      %parallel_loop3A_39 = tpu.vector_load %arg14[%parallel_loop3A_38] {strides = array<i32>} : memref<10000xf32, #tpu.memory_space<vmem>>, vector<16xf32>,
      tpu.vector_store %arg14[%parallel_loop3A_38], %parallel_loop3A_37 {strides = array<i32>} : memref<10000xf32, #tpu.memory_space<vmem>>, vector<16xf32>,
    } {sc.loop_unroll_factor = 25 : i64, sc.parallel_access}
    %dma_start3A_19 = tpu.memref_slice %arg6[%mul3A_2] : memref<320000xf32, #tpu.memory_space<hbm>> -> memref<10000xf32, #tpu.memory_space<hbm>>
    %dma_start3A_20 = tpu.memref_slice %arg6[%mul3A_2] : memref<320000xf32, #tpu.memory_space<hbm>> -> memref<10000xf32, #tpu.memory_space<hbm>>
    tpu.enqueue_dma source(%arg14 : memref<10000xf32, #tpu.memory_space<vmem>>) target(%dma_start3A_20 : memref<10000xf32, #tpu.memory_space<hbm>>) target_semaphore(%arg17 : memref<!tpu.dma_semaphore, #tpu.memory_space<semaphore_mem>>)
    %dma_wait3A_21 = tpu.memref_slice %arg5[%mul3A_2] : memref<640000xi32, #tpu.memory_space<hbm>> -> memref<10000xi32, #tpu.memory_space<hbm>>
    %dma_wait3A_22 = tpu.memref_slice %arg5[%mul3A_2] : memref<640000xi32, #tpu.memory_space<hbm>> -> memref<10000xi32, #tpu.memory_space<hbm>>
    tpu.wait_dma2 semaphore(%arg18 : memref<!tpu.dma_semaphore, #tpu.memory_space<semaphore_mem>>) src(%dma_wait3A_22 : memref<10000xi32, #tpu.memory_space<hbm>>) dst(%arg12 : memref<10000xi32, #tpu.memory_space<vmem>>)
    %dma_wait3A_23 = tpu.memref_slice %arg5[%add3A_11] : memref<640000xi32, #tpu.memory_space<hbm>> -> memref<10000xi32, #tpu.memory_space<hbm>>
    %dma_wait3A_24 = tpu.memref_slice %arg5[%add3A_11] : memref<640000xi32, #tpu.memory_space<hbm>> -> memref<10000xi32, #tpu.memory_space<hbm>>
    tpu.wait_dma2 semaphore(%arg18 : memref<!tpu.dma_semaphore, #tpu.memory_space<semaphore_mem>>) src(%dma_wait3A_24 : memref<10000xi32, #tpu.memory_space<hbm>>) dst(%arg13 : memref<10000xi32, #tpu.memory_space<vmem>>)
    %parallel_loop3A_25 = arith.constant 0 : i32
    %parallel_loop3A_26 = arith.constant 10000 : i32
    %parallel_loop3A_27 = arith.constant 16 : i32
    scf.for %parallel_loop3A_30 = %parallel_loop3A_25 to %parallel_loop3A_26 step %parallel_loop3A_27  : i32 {
      %parallel_loop3A_31 = arith.index_cast %parallel_loop3A_30 : i32 to index
      %parallel_loop3A_32 = tpu.vector_load %arg12[%parallel_loop3A_31] {strides = array<i32>} : memref<10000xi32, #tpu.memory_space<vmem>>, vector<16xi32>,
      %parallel_loop3A_33 = arith.index_cast %parallel_loop3A_30 : i32 to index
      %parallel_loop3A_34 = tpu.vector_load %arg13[%parallel_loop3A_33] {strides = array<i32>} : memref<10000xi32, #tpu.memory_space<vmem>>, vector<16xi32>,
      %parallel_loop3A_35 = tpu.vector_load_idx %arg8[%parallel_loop3A_32] : memref<10000xf32, #tpu.memory_space<vmem>>[vector<16xi32>], vector<16xf32>,
      %parallel_loop3A_36 = tpu.vector_load_idx %arg9[%parallel_loop3A_34] : memref<10000xf32, #tpu.memory_space<vmem>>[vector<16xi32>], vector<16xf32>,
      %parallel_loop3A_37 = arith.addf %parallel_loop3A_35, %parallel_loop3A_36 : vector<16xf32>
      %parallel_loop3A_38 = arith.index_cast %parallel_loop3A_30 : i32 to index
      %parallel_loop3A_39 = tpu.vector_load %arg15[%parallel_loop3A_38] {strides = array<i32>} : memref<10000xf32, #tpu.memory_space<vmem>>, vector<16xf32>,
      tpu.vector_store %arg15[%parallel_loop3A_38], %parallel_loop3A_37 {strides = array<i32>} : memref<10000xf32, #tpu.memory_space<vmem>>, vector<16xf32>,
    } {sc.loop_unroll_factor = 25 : i64, sc.parallel_access}
    %dma_wait3A_28 = tpu.memref_slice %arg6[%mul3A_2] : memref<320000xf32, #tpu.memory_space<hbm>> -> memref<10000xf32, #tpu.memory_space<hbm>>
    %dma_wait3A_29 = tpu.memref_slice %arg6[%mul3A_2] : memref<320000xf32, #tpu.memory_space<hbm>> -> memref<10000xf32, #tpu.memory_space<hbm>>
    tpu.wait_dma2 semaphore(%arg17 : memref<!tpu.dma_semaphore, #tpu.memory_space<semaphore_mem>>) src(%arg14 : memref<10000xf32, #tpu.memory_space<vmem>>) dst(%dma_wait3A_29 : memref<10000xf32, #tpu.memory_space<hbm>>)
    "tpu.region"() ({
      %run_scoped3A = tpu.sem_alloc : memref<!tpu.dma_semaphore, #tpu.memory_space<semaphore_mem>>
      %dma_start3A_30 = tpu.memref_slice %arg7[%mul3A_2] : memref<320000xf32, #tpu.memory_space<hbm>> -> memref<10000xf32, #tpu.memory_space<hbm>>
      %dma_start3A_31 = tpu.memref_slice %arg7[%mul3A_2] : memref<320000xf32, #tpu.memory_space<hbm>> -> memref<10000xf32, #tpu.memory_space<hbm>>
      tpu.enqueue_dma source(%arg15 : memref<10000xf32, #tpu.memory_space<vmem>>) target(%dma_start3A_31 : memref<10000xf32, #tpu.memory_space<hbm>>) target_semaphore(%run_scoped3A : memref<!tpu.dma_semaphore, #tpu.memory_space<semaphore_mem>>)
      %dma_wait3A_32 = tpu.memref_slice %arg7[%mul3A_2] : memref<320000xf32, #tpu.memory_space<hbm>> -> memref<10000xf32, #tpu.memory_space<hbm>>
      %dma_wait3A_33 = tpu.memref_slice %arg7[%mul3A_2] : memref<320000xf32, #tpu.memory_space<hbm>> -> memref<10000xf32, #tpu.memory_space<hbm>>
      tpu.wait_dma2 semaphore(%run_scoped3A : memref<!tpu.dma_semaphore, #tpu.memory_space<semaphore_mem>>) src(%arg15 : memref<10000xf32, #tpu.memory_space<vmem>>) dst(%dma_wait3A_33 : memref<10000xf32, #tpu.memory_space<hbm>>)
      tpu.yield
    }) : () -> ()
    return
  }
}

module attributes {stable_mosaic.version = 14 : i64} {
  func.func @_dense_body(%arg0: i32, %arg1: memref<10000x128xf32, #tpu.memory_space<vmem>>, %arg2: memref<10000x1xi32, #tpu.memory_space<vmem>>, %arg3: memref<128x256xf32, #tpu.memory_space<vmem>>, %arg4: memref<1x256xf32, #tpu.memory_space<vmem>>, %arg5: memref<256x40xf32, #tpu.memory_space<vmem>>, %arg6: memref<1x40xf32, #tpu.memory_space<vmem>>, %arg7: memref<128x16xf32, #tpu.memory_space<vmem>>, %arg8: memref<1x16xf32, #tpu.memory_space<vmem>>, %arg9: memref<112x1xf32, #tpu.memory_space<vmem>>, %arg10: memref<1x1xf32, #tpu.memory_space<vmem>>, %arg11: memref<10000x40xf32, #tpu.memory_space<vmem>>, %arg12: memref<10000x1xf32, #tpu.memory_space<vmem>>, %arg13: memref<10000x1xf32, #tpu.memory_space<vmem>>) attributes {dimension_semantics = [#tpu.dimension_semantics<arbitrary>], iteration_bounds = array<i64: 1>, scalar_prefetch = 0 : i64, scratch_operands = 0 : i64, tpu.core_type = #tpu.core_type<tc>, window_params = [{transform_indices = @transform_0, window_bounds = array<i64: 10000, 128>}, {transform_indices = @transform_1, window_bounds = array<i64: 10000, 1>}, {pipeline_mode = #tpu.pipeline_mode<synchronous>, transform_indices = @transform_2, window_bounds = array<i64: 128, 256>}, {pipeline_mode = #tpu.pipeline_mode<synchronous>, transform_indices = @transform_3, window_bounds = array<i64: 1, 256>}, {pipeline_mode = #tpu.pipeline_mode<synchronous>, transform_indices = @transform_4, window_bounds = array<i64: 256, 40>}, {pipeline_mode = #tpu.pipeline_mode<synchronous>, transform_indices = @transform_5, window_bounds = array<i64: 1, 40>}, {pipeline_mode = #tpu.pipeline_mode<synchronous>, transform_indices = @transform_6, window_bounds = array<i64: 128, 16>}, {pipeline_mode = #tpu.pipeline_mode<synchronous>, transform_indices = @transform_7, window_bounds = array<i64: 1, 16>}, {pipeline_mode = #tpu.pipeline_mode<synchronous>, transform_indices = @transform_8, window_bounds = array<i64: 112, 1>}, {pipeline_mode = #tpu.pipeline_mode<synchronous>, transform_indices = @transform_9, window_bounds = array<i64: 1, 1>}, {transform_indices = @transform_10, window_bounds = array<i64: 10000, 40>}, {transform_indices = @transform_11, window_bounds = array<i64: 10000, 1>}, {transform_indices = @transform_12, window_bounds = array<i64: 10000, 1>}]} {
    %get3A = arith.constant 0 : index
    %get3A_0 = arith.constant 0 : index
    %get3A_1 = vector.load %arg1[%get3A, %get3A_0] : memref<10000x128xf32, #tpu.memory_space<vmem>>, vector<10000x128xf32>
    %get3A_2 = arith.constant 0 : index
    %get3A_3 = arith.constant 0 : index
    %get3A_4 = vector.load %arg3[%get3A_2, %get3A_3] : memref<128x256xf32, #tpu.memory_space<vmem>>, vector<128x256xf32>
    %dot_general3A = arith.constant dense<0.000000e+00> : vector<10000x256xf32>
    %dot_general3A_5 = tpu.matmul %get3A_1, %get3A_4, %dot_general3A {dimension_numbers = #tpu.dot_dimension_numbers<[1], [0], [0], [1], [0, 0, 1, 1], [], []>, transpose_lhs_hint = false} : vector<10000x128xf32>, vector<128x256xf32>, vector<10000x256xf32> -> vector<10000x256xf32>
    %get3A_6 = arith.constant 0 : index
    %get3A_7 = arith.constant 0 : index
    %get3A_8 = vector.load %arg4[%get3A_6, %get3A_7] : memref<1x256xf32, #tpu.memory_space<vmem>>, vector<1x256xf32>
    %add3A = vector.broadcast %get3A_8 : vector<1x256xf32> to vector<10000x256xf32>
    %add3A_9 = arith.addf %dot_general3A_5, %add3A : vector<10000x256xf32>
    %max3A = arith.constant 0.000000e+00 : f32
    %max3A_10 = vector.broadcast %max3A : f32 to vector<10000x256xf32>
    %max3A_11 = arith.maximumf %add3A_9, %max3A_10 : vector<10000x256xf32>
    %get3A_12 = arith.constant 0 : index
    %get3A_13 = arith.constant 0 : index
    %get3A_14 = vector.load %arg5[%get3A_12, %get3A_13] : memref<256x40xf32, #tpu.memory_space<vmem>>, vector<256x40xf32>
    %dot_general3A_15 = arith.constant dense<0.000000e+00> : vector<10000x40xf32>
    %dot_general3A_16 = tpu.matmul %max3A_11, %get3A_14, %dot_general3A_15 {dimension_numbers = #tpu.dot_dimension_numbers<[1], [0], [0], [1], [0, 0, 1, 1], [], []>, transpose_lhs_hint = false} : vector<10000x256xf32>, vector<256x40xf32>, vector<10000x40xf32> -> vector<10000x40xf32>
    %get3A_17 = arith.constant 0 : index
    %get3A_18 = arith.constant 0 : index
    %get3A_19 = vector.load %arg6[%get3A_17, %get3A_18] : memref<1x40xf32, #tpu.memory_space<vmem>>, vector<1x40xf32>
    %add3A_20 = vector.broadcast %get3A_19 : vector<1x40xf32> to vector<10000x40xf32>
    %add3A_21 = arith.addf %dot_general3A_16, %add3A_20 : vector<10000x40xf32>
    %reduce_max3A = arith.constant dense<0xFF800000> : vector<10000xf32>
    %reduce_max3A_22 = vector.multi_reduction <maximumf>, %add3A_21, %reduce_max3A [1] : vector<10000x40xf32> to vector<10000xf32>
    %broadcast_in_dim3A = vector.shape_cast %reduce_max3A_22 : vector<10000xf32> to vector<10000x1xf32>
    %sub3A = vector.broadcast %broadcast_in_dim3A : vector<10000x1xf32> to vector<10000x40xf32>
    %sub3A_23 = arith.subf %add3A_21, %sub3A : vector<10000x40xf32>
    %exp3A = math.exp %sub3A_23 : vector<10000x40xf32>
    %reduce_sum3A = arith.constant dense<0.000000e+00> : vector<10000xf32>
    %reduce_sum3A_24 = vector.multi_reduction <add>, %exp3A, %reduce_sum3A [1] : vector<10000x40xf32> to vector<10000xf32>
    %broadcast_in_dim3A_25 = vector.shape_cast %reduce_sum3A_24 : vector<10000xf32> to vector<10000x1xf32>
    %log3A = math.log %broadcast_in_dim3A_25 : vector<10000x1xf32>
    %add3A_26 = arith.addf %log3A, %broadcast_in_dim3A : vector<10000x1xf32>
    %sub3A_27 = vector.broadcast %add3A_26 : vector<10000x1xf32> to vector<10000x40xf32>
    %sub3A_28 = arith.subf %add3A_21, %sub3A_27 : vector<10000x40xf32>
    %swap3A = arith.constant 0 : index
    %swap3A_29 = arith.constant 0 : index
    %swap3A_30 = vector.load %arg11[%swap3A, %swap3A_29] : memref<10000x40xf32, #tpu.memory_space<vmem>>, vector<10000x40xf32>
    tpu.vector_store %arg11[%swap3A, %swap3A_29], %sub3A_28 {strides = array<i32>} : memref<10000x40xf32, #tpu.memory_space<vmem>>, vector<10000x40xf32>,
    %get3A_31 = arith.constant 0 : index
    %get3A_32 = arith.constant 0 : index
    %get3A_33 = vector.load %arg2[%get3A_31, %get3A_32] : memref<10000x1xi32, #tpu.memory_space<vmem>>, vector<10000x1xi32>
    %iota3A = tpu.iota {dimensions = array<i32: 1>} : vector<1x40xi32>
    %eq3A = vector.broadcast %iota3A : vector<1x40xi32> to vector<10000x40xi32>
    %eq3A_34 = vector.broadcast %get3A_33 : vector<10000x1xi32> to vector<10000x40xi32>
    %eq3A_35 = arith.cmpi eq, %eq3A, %eq3A_34 : vector<10000x40xi32>
    %convert_element_type3A = arith.extui %eq3A_35 : vector<10000x40xi1> to vector<10000x40xi32>
    %convert_element_type3A_36 = arith.sitofp %convert_element_type3A : vector<10000x40xi32> to vector<10000x40xf32>
    %get3A_37 = arith.constant 0 : index
    %get3A_38 = arith.constant 0 : index
    %get3A_39 = vector.load %arg7[%get3A_37, %get3A_38] : memref<128x16xf32, #tpu.memory_space<vmem>>, vector<128x16xf32>
    %dot_general3A_40 = arith.constant dense<0.000000e+00> : vector<10000x16xf32>
    %dot_general3A_41 = tpu.matmul %get3A_1, %get3A_39, %dot_general3A_40 {dimension_numbers = #tpu.dot_dimension_numbers<[1], [0], [0], [1], [0, 0, 1, 1], [], []>, transpose_lhs_hint = false} : vector<10000x128xf32>, vector<128x16xf32>, vector<10000x16xf32> -> vector<10000x16xf32>
    %get3A_42 = arith.constant 0 : index
    %get3A_43 = arith.constant 0 : index
    %get3A_44 = vector.load %arg8[%get3A_42, %get3A_43] : memref<1x16xf32, #tpu.memory_space<vmem>>, vector<1x16xf32>
    %add3A_45 = vector.broadcast %get3A_44 : vector<1x16xf32> to vector<10000x16xf32>
    %add3A_46 = arith.addf %dot_general3A_41, %add3A_45 : vector<10000x16xf32>
    %max3A_47 = arith.constant 0.000000e+00 : f32
    %max3A_48 = vector.broadcast %max3A_47 : f32 to vector<10000x16xf32>
    %max3A_49 = arith.maximumf %add3A_46, %max3A_48 : vector<10000x16xf32>
    %get3A_50 = arith.constant 32 : index
    %get3A_51 = arith.constant 0 : index
    %get3A_52 = vector.load %arg9[%get3A_50, %get3A_51] : memref<112x1xf32, #tpu.memory_space<vmem>>, vector<40x1xf32>
    %get3A_53 = arith.constant 72 : index
    %get3A_54 = arith.constant 0 : index
    %get3A_55 = vector.load %arg9[%get3A_53, %get3A_54] : memref<112x1xf32, #tpu.memory_space<vmem>>, vector<40x1xf32>
    %concatenate3A = tpu.concatenate %get3A_52, %get3A_55 in 1 : vector<40x1xf32>, vector<40x1xf32> -> vector<40x2xf32>
    %dot_general3A_56 = arith.constant dense<0.000000e+00> : vector<10000x2xf32>
    %dot_general3A_57 = tpu.matmul %exp3A, %concatenate3A, %dot_general3A_56 {dimension_numbers = #tpu.dot_dimension_numbers<[1], [0], [0], [1], [0, 0, 1, 1], [], []>, transpose_lhs_hint = false} : vector<10000x40xf32>, vector<40x2xf32>, vector<10000x2xf32> -> vector<10000x2xf32>
    %div3A = vector.broadcast %broadcast_in_dim3A_25 : vector<10000x1xf32> to vector<10000x2xf32>
    %div3A_58 = arith.divf %dot_general3A_57, %div3A : vector<10000x2xf32>
    %dot_general3A_59 = arith.constant dense<0.000000e+00> : vector<10000x2xf32>
    %dot_general3A_60 = tpu.matmul %convert_element_type3A_36, %concatenate3A, %dot_general3A_59 {dimension_numbers = #tpu.dot_dimension_numbers<[1], [0], [0], [1], [0, 0, 1, 1], [], []>, transpose_lhs_hint = false} : vector<10000x40xf32>, vector<40x2xf32>, vector<10000x2xf32> -> vector<10000x2xf32>
    %ge3A = arith.constant 0 : i32
    %ge3A_61 = vector.broadcast %ge3A : i32 to vector<10000x1xi32>
    %ge3A_62 = arith.cmpi sge, %get3A_33, %ge3A_61 : vector<10000x1xi32>
    %broadcast_in_dim3A_63 = vector.shape_cast %ge3A_62 : vector<10000x1xi1> to vector<10000x1xi1>
    %broadcast_in_dim3A_64 = vector.broadcast %broadcast_in_dim3A_63 : vector<10000x1xi1> to vector<10000x2xi1>
    %select_n3A = arith.select %broadcast_in_dim3A_64, %dot_general3A_60, %div3A_58 : vector<10000x2xi1>, vector<10000x2xf32>
    %get3A_65 = arith.constant 0 : index
    %get3A_66 = arith.constant 0 : index
    %get3A_67 = vector.load %arg9[%get3A_65, %get3A_66] : memref<112x1xf32, #tpu.memory_space<vmem>>, vector<16x1xf32>
    %get3A_68 = arith.constant 16 : index
    %get3A_69 = arith.constant 0 : index
    %get3A_70 = vector.load %arg9[%get3A_68, %get3A_69] : memref<112x1xf32, #tpu.memory_space<vmem>>, vector<16x1xf32>
    %concatenate3A_71 = tpu.concatenate %get3A_67, %get3A_70 in 1 : vector<16x1xf32>, vector<16x1xf32> -> vector<16x2xf32>
    %dot_general3A_72 = arith.constant dense<0.000000e+00> : vector<10000x2xf32>
    %dot_general3A_73 = tpu.matmul %max3A_49, %concatenate3A_71, %dot_general3A_72 {dimension_numbers = #tpu.dot_dimension_numbers<[1], [0], [0], [1], [0, 0, 1, 1], [], []>, transpose_lhs_hint = false} : vector<10000x16xf32>, vector<16x2xf32>, vector<10000x2xf32> -> vector<10000x2xf32>
    %add3A_74 = arith.addf %dot_general3A_73, %select_n3A : vector<10000x2xf32>
    %slice3A = vector.extract_strided_slice %add3A_74 {offsets = [0, 0], sizes = [10000, 1], strides = [1, 1]} : vector<10000x2xf32> to vector<10000x1xf32>
    %get3A_75 = arith.constant 0 : index
    %get3A_76 = arith.constant 0 : index
    %get3A_77 = vector.load %arg10[%get3A_75, %get3A_76] : memref<1x1xf32, #tpu.memory_space<vmem>>, vector<1x1xf32>
    %add3A_78 = vector.broadcast %get3A_77 : vector<1x1xf32> to vector<10000x1xf32>
    %add3A_79 = arith.addf %slice3A, %add3A_78 : vector<10000x1xf32>
    %swap3A_80 = arith.constant 0 : index
    %swap3A_81 = arith.constant 0 : index
    %swap3A_82 = vector.load %arg12[%swap3A_80, %swap3A_81] : memref<10000x1xf32, #tpu.memory_space<vmem>>, vector<10000x1xf32>
    tpu.vector_store %arg12[%swap3A_80, %swap3A_81], %add3A_79 {strides = array<i32>} : memref<10000x1xf32, #tpu.memory_space<vmem>>, vector<10000x1xf32>,
    %slice3A_83 = vector.extract_strided_slice %add3A_74 {offsets = [0, 1], sizes = [10000, 1], strides = [1, 1]} : vector<10000x2xf32> to vector<10000x1xf32>
    %swap3A_84 = arith.constant 0 : index
    %swap3A_85 = arith.constant 0 : index
    %swap3A_86 = vector.load %arg13[%swap3A_84, %swap3A_85] : memref<10000x1xf32, #tpu.memory_space<vmem>>, vector<10000x1xf32>
    tpu.vector_store %arg13[%swap3A_84, %swap3A_85], %slice3A_83 {strides = array<i32>} : memref<10000x1xf32, #tpu.memory_space<vmem>>, vector<10000x1xf32>,
    return
  }
  func.func @transform_0(%arg0: i32) -> (i32, i32) {
    %c0_i32 = arith.constant 0 : i32
    %c0_i32_0 = arith.constant 0 : i32
    return %arg0, %c0_i32 : i32, i32
  }
  func.func @transform_1(%arg0: i32) -> (i32, i32) {
    %c0_i32 = arith.constant 0 : i32
    %c0_i32_0 = arith.constant 0 : i32
    return %arg0, %c0_i32 : i32, i32
  }
  func.func @transform_2(%arg0: i32) -> (i32, i32) {
    %c0_i32 = arith.constant 0 : i32
    %c0_i32_0 = arith.constant 0 : i32
    %c0_i32_1 = arith.constant 0 : i32
    return %c0_i32, %c0_i32_0 : i32, i32
  }
  func.func @transform_3(%arg0: i32) -> (i32, i32) {
    %c0_i32 = arith.constant 0 : i32
    %c0_i32_0 = arith.constant 0 : i32
    %c0_i32_1 = arith.constant 0 : i32
    return %c0_i32, %c0_i32_0 : i32, i32
  }
  func.func @transform_4(%arg0: i32) -> (i32, i32) {
    %c0_i32 = arith.constant 0 : i32
    %c0_i32_0 = arith.constant 0 : i32
    %c0_i32_1 = arith.constant 0 : i32
    return %c0_i32, %c0_i32_0 : i32, i32
  }
  func.func @transform_5(%arg0: i32) -> (i32, i32) {
    %c0_i32 = arith.constant 0 : i32
    %c0_i32_0 = arith.constant 0 : i32
    %c0_i32_1 = arith.constant 0 : i32
    return %c0_i32, %c0_i32_0 : i32, i32
  }
  func.func @transform_6(%arg0: i32) -> (i32, i32) {
    %c0_i32 = arith.constant 0 : i32
    %c0_i32_0 = arith.constant 0 : i32
    %c0_i32_1 = arith.constant 0 : i32
    return %c0_i32, %c0_i32_0 : i32, i32
  }
  func.func @transform_7(%arg0: i32) -> (i32, i32) {
    %c0_i32 = arith.constant 0 : i32
    %c0_i32_0 = arith.constant 0 : i32
    %c0_i32_1 = arith.constant 0 : i32
    return %c0_i32, %c0_i32_0 : i32, i32
  }
  func.func @transform_8(%arg0: i32) -> (i32, i32) {
    %c0_i32 = arith.constant 0 : i32
    %c0_i32_0 = arith.constant 0 : i32
    %c0_i32_1 = arith.constant 0 : i32
    return %c0_i32, %c0_i32_0 : i32, i32
  }
  func.func @transform_9(%arg0: i32) -> (i32, i32) {
    %c0_i32 = arith.constant 0 : i32
    %c0_i32_0 = arith.constant 0 : i32
    %c0_i32_1 = arith.constant 0 : i32
    return %c0_i32, %c0_i32_0 : i32, i32
  }
  func.func @transform_10(%arg0: i32) -> (i32, i32) {
    %c0_i32 = arith.constant 0 : i32
    %c0_i32_0 = arith.constant 0 : i32
    return %arg0, %c0_i32 : i32, i32
  }
  func.func @transform_11(%arg0: i32) -> (i32, i32) {
    %c0_i32 = arith.constant 0 : i32
    %c0_i32_0 = arith.constant 0 : i32
    return %arg0, %c0_i32 : i32, i32
  }
  func.func @transform_12(%arg0: i32) -> (i32, i32) {
    %c0_i32 = arith.constant 0 : i32
    %c0_i32_0 = arith.constant 0 : i32
    return %arg0, %c0_i32 : i32, i32
  }
}

</mosaic_0001>

<sc_bundles>
// kernel: kernel.4.cloned.1.call-start
scs
__scs_entry_jumppad:
0x0: {  	(pc) =	sbr.rel $0x88, $3  }
0x1: {  	(tag) =	ssettag $0x0;
	lr =	simm.s32 $0x1  }
0x2: {  	[smem:$0x3F95] =	sst lr;
	_ =	strace $0xD0000000  }
0x3: {  	_ = 	snop  }
0x4: {  	_ = 	snop  }
0x5: {  	_ = 	snop  }
0x6: {  	_ = 	snop  }
0x7: {  	_ = 	snop  }
__scs_overlays_trampoline_lowered:
0x8: {  	[smem:$0x3FA4] =	sst s0  }
0x9: {  	[smem:$0x3FA5] =	sst s1  }
0xa: {  	[smem:$0x3FA6] =	sst s2  }
0xb: {  	[smem:$0x3FA7] =	sst s3  }
0xc: {  	[smem:$0x3FA8] =	sst s4  }
0xd: {  	[smem:$0x3FA9] =	sst s5  }
0xe: {  	[smem:$0x3FAA] =	sst s6  }
0xf: {  	[smem:$0x3FAB] =	sst s7  }
0x10: {  	[smem:$0x3FAC] =	sst s8  }
0x11: {  	[smem:$0x3FAD] =	sst s9;
	s0 =	simm.s32 @!p0 $0x0  }
0x12: {  	s1 =	sld [smem:$0x3F93];
	s0 =	simm.s32 @p0 $0x1  }
0x13: {  	[smem:$0x3FAE] =	sst s0;
	s0 =	simm.s32 @!p1 $0x0  }
0x14: {  	s2 =	sld [smem:$0x3F92];
	s0 =	simm.s32 @p1 $0x1  }
0x15: {  	[smem:$0x3FAF] =	sst s0;
	s0 =	simm.s32 @!p2 $0x0  }
0x16: {  	s3 =	sld [smem:$0x3FDB];
	s0 =	simm.s32 @p2 $0x1  }
0x17: {  	s4 =	simm.s32 $0x1BF5;
	[smem:$0x3FB1] =	sst s0  }
0x18: {  	s0 =	sld [smem:$0x3F94];
	_ =	swait.ge [sflag:s4], $0x0  }
0x19: {  	s7 =	sld [smem:$0x3F95]  }
0x1a: {  	s8 =	sadd.s32 $0xFFFFE003, lr  }
0x1b: {  	s9 =	sadd.s32 $0xFFFFFEF7, lr;
	s5 =	simm.s32 $0xFFFFFFFF;
	p2 =	slt.u32 s8, $0xFFFFF086  }
0x1c: {  	p1 =	slt.u32 s9, $0xF7A;
	s5 =	simm.s32 @!p2 $0x0  }
0x1d: {  	s5 =	simm.s32 @p1 $0x1;
	p0 =	seq.s32 s7, s2  }
0x1e: {  	s7 =	smul.u32 @!p0 $0xF7A, s2;
	p2 =	seq.s32 @!p0 s5, $0x0  }
0x1f: {  	s9 =	smul.u32 $0xF7A, s1;
	s8 =	simm.s32 @!p0 $0x1BF5;
	p2 =	por !p2, p0  }
0x20: {  	[sflag:s8] =	ssyncset.s32 @!p0 $0xFFFFF086;
	s6 =	sadd.s32 @!p0 s3, s7;
	s7 =	simm.s32 @!p0 $0x108  }
0x21: {  	s3 =	sadd.s32 s3, s9;
	s6 =	sadd.s32 @!p0 $0x88, s6;
	s7 =	simm.s32 @p2 $0x1082  }
0x22: {  	[simem:s7], [sflag:s8] =	dma.local @!p0 [hbm:s6], $0xF7A  }
0x23: {  	s9 =	sor.u32 $0xD0000000, s2;
	s6 =	simm.s32 $0x108;
	_ =	swait.ge @!p0 [sflag:s8], $0x0  }
0x24: {  	s3 =	sadd.s32 $0x88, s3;
	s6 =	simm.s32 @!p1 $0x1082;
	[sflag:s4] =	ssyncset.s32 $0xFFFFF086  }
0x25: {  	[simem:s6], [sflag:s4] =	dma.local [hbm:s3], $0xF7A  }
0x26: {  	[smem:$0x3F95] =	sst s1;
	(tag) =	ssettag s2;
	_ =	strace s9  }
0x27: {  	s1 =	sld [smem:$0x3FA5]  }
0x28: {  	s2 =	sld [smem:$0x3FA6]  }
0x29: {  	s4 =	sld [smem:$0x3FA8]  }
0x2a: {  	p0 =	seq.s32 s5, $0x0;
	s5 =	sld [smem:$0x3FA9]  }
0x2b: {  	s6 =	sld [smem:$0x3FAA]  }
0x2c: {  	s7 =	sld [smem:$0x3FAB]  }
0x2d: {  	s3 =	simm.s32 $0x108;
	s8 =	sld [smem:$0x3FAC]  }
0x2e: {  	s3 =	simm.s32 @!p0 $0x1082;
	s9 =	sld [smem:$0x3FAD]  }
0x2f: {  	lr =	sadd.s32 s0, s3;
	s0 =	sld [smem:$0x3FA4]  }
0x30: {  	s3 =	sld [smem:$0x3FA7]  }
0x31: {  	[smem:$0x3FB0] =	sst s10  }
0x32: {  	s10 =	sld [smem:$0x3FAE];
	_ =	sdelay $0x3  }
0x33: {  	p0 =	seq.s32 s10, $0x1;
	s10 =	sld [smem:$0x3FB0];
	_ =	sdelay $0x3  }
0x34: {  	[smem:$0x3FB0] =	sst s10  }
0x35: {  	s10 =	sld [smem:$0x3FAF];
	_ =	sdelay $0x3  }
0x36: {  	p1 =	seq.s32 s10, $0x1;
	s10 =	sld [smem:$0x3FB0];
	_ =	sdelay $0x3  }
0x37: {  	[smem:$0x3FB0] =	sst s10  }
0x38: {  	s10 =	sld [smem:$0x3FB1]  }
0x39: {  	_ = 	snop;
	(pc) =	sbr.ind lr, $3  }
0x3a: {  	_ = 	snop  }
0x3b: {  	_ = 	snop  }
0x3c: {  	p2 =	seq.s32 s10, $0x1;
	s10 =	sld [smem:$0x3FB0]  }
0x3d: {  	_ =	shalt  }
0x3e: {  	_ =	shalt  }
0x3f: {  	_ =	shalt  }
0x40: {  	_ =	shalt  }
0x41: {  	_ =	shalt  }
0x42: {  	_ =	shalt  }
0x43: {  	_ =	shalt  }
0x44: {  	_ =	shalt  }
0x45: {  	_ =	shalt  }
0x46: {  	_ =	shalt  }
0x47: {  	_ =	shalt  }
0x48: {  	_ =	shalt  }
0x49: {  	_ =	shalt  }
0x4a: {  	_ =	shalt  }
0x4b: {  	_ =	shalt  }
0x4c: {  	_ =	shalt  }
0x4d: {  	_ =	shalt  }
0x4e: {  	_ =	shalt  }
0x4f: {  	_ =	shalt  }
0x50: {  	_ =	shalt  }
0x51: {  	_ =	shalt  }
0x52: {  	_ =	shalt  }
0x53: {  	_ =	shalt  }
0x54: {  	_ =	shalt  }
0x55: {  	_ =	shalt  }
0x56: {  	_ =	shalt  }
0x57: {  	_ =	shalt  }
0x58: {  	_ =	shalt  }
0x59: {  	_ =	shalt  }
0x5a: {  	_ =	shalt  }
0x5b: {  	_ =	shalt  }
0x5c: {  	_ =	shalt  }
0x5d: {  	_ =	shalt  }
0x5e: {  	_ =	shalt  }
0x5f: {  	_ =	shalt  }
0x60: {  	_ =	shalt  }
0x61: {  	_ =	shalt  }
0x62: {  	_ =	shalt  }
0x63: {  	_ =	shalt  }
0x64: {  	_ =	shalt  }
0x65: {  	_ =	shalt  }
0x66: {  	_ =	shalt  }
0x67: {  	_ =	shalt  }
0x68: {  	_ =	shalt  }
0x69: {  	_ =	shalt  }
0x6a: {  	_ =	shalt  }
0x6b: {  	_ =	shalt  }
0x6c: {  	_ =	shalt  }
0x6d: {  	_ =	shalt  }
0x6e: {  	_ =	shalt  }
0x6f: {  	_ =	shalt  }
0x70: {  	_ =	shalt  }
0x71: {  	_ =	shalt  }
0x72: {  	_ =	shalt  }
0x73: {  	_ =	shalt  }
0x74: {  	_ =	shalt  }
0x75: {  	_ =	shalt  }
0x76: {  	_ =	shalt  }
0x77: {  	_ =	shalt  }
0x78: {  	_ =	shalt  }
0x79: {  	_ =	shalt  }
0x7a: {  	_ =	shalt  }
0x7b: {  	_ =	shalt  }
0x7c: {  	_ =	shalt  }
0x7d: {  	_ =	shalt  }
0x7e: {  	_ =	shalt  }
0x7f: {  	_ =	shalt  }
0x80: {  	_ =	shalt  }
0x81: {  	_ =	shalt  }
0x82: {  	_ =	shalt  }
0x83: {  	_ =	shalt  }
0x84: {  	_ =	shalt  }
0x85: {  	_ =	shalt  }
0x86: {  	_ =	shalt  }
0x87: {  	_ =	shalt  }
.Lfunc_end0:
.L_simem_size_0:
called_computation_lowered:
.L_overlay_start_0:
0x88: {  	s2 =	sld [smem:$0x3FD9]  }
0x89: {  	s3 =	sld [smem:$0x3FFE];
	_ =	sdelay $0x1  }
0x8a: {  	s1 =	srdreg.scid  }
0x8b: {  	s0 =	sand.u32 $0x1, s1  }
0x8c: {  	s14 =	sshll.u32 s0, $0xA;
	s2 =	sadd.s32 s3, s2  }
0x8d: {  	s2 =	sadd.s32 s2, s14  }
0x8e: {  	[smem:$0x3FBC] =	sst s2  }
0x8f: {  	_ = 	snop  }
0x90: {  	s2 =	sld [smem:$0x3FD0];
	_ =	sdelay $0x2  }
0x91: {  	s15 =	simm.s32 $0xA;
	s4 =	simm.s32 $0x10  }
0x92: {  	[smem:s4], [sflag:s15] =	dma.local [hbm:s2], $0x1  }
0x93: {  	_ =	swait.eq [sflag:s15], $0x1  }
0x94: {  	[sflag:s15] =	ssyncset.done $0x0  }
0x95: {  	s16 =	sld [smem:$0x10];
	[sflag:s15] =	ssyncadd.s32 $0xFFFFFFFF  }
0x96: {  	s17 =	sld [smem:$0x11];
	(tm) =	ssettm $0x1  }
0x97: {  	s18 =	sld [smem:$0x3FFB];
	_ =	sdelay $0x3  }
0x98: {  	_ =	strace s18  }
0x99: {  	s4 =	sld [smem:$0x3FFC];
	_ =	sdelay $0x3  }
0x9a: {  	_ =	strace s4  }
0x9b: {  	s4 =	sld [smem:$0x3FFD];
	_ =	sdelay $0x3  }
0x9c: {  	_ =	strace s4  }
0x9d: {  	_ =	strace $0x8FFFFFFF  }
0x9e: {  	s19 =	sld [smem:$0x3FDB];
	_ =	sdelay $0x1  }
0x9f: {  	s5 =	simm.s32 $_scs_section_size  }
0xa0: {  	s6 =	simm.s32 $_size__tile_overlayer_lowered;
	s7 =	simm.s32 $_tile_overlayer_lowered  }
0xa1: {  	s22 =	simm.s32 $0x1BFF;
	s21 =	sshll.u32 s7, $0x1;
	s4 =	sadd.s32 s5, s19  }
0xa2: {  	s8 =	simm.s32 $0x0;
	s20 =	sshll.u32 s6, $0x1;
	s6 =	sadd.s32 s21, s4  }
0xa3: {  	[timem:s8], [sflag:s22] =	dma.local [hbm:s6], s20  }
0xa4: {  	_ =	swait.ge [sflag:s22], s20  }
0xa5: {  	s5 =	ssub.s32 $0x0, s20;
	[sflag:s22] =	ssyncset.done $0x0  }
0xa6: {  	[sflag:s22] =	ssyncadd.s32 s5;
	_ =	sdelay $0x1  }
0xa7: {  	s23 =	simm.s32 $0x1B8B  }
0xa8: {  	_ =	swait.ge [sflag:s23], $0x1  }
0xa9: {  	[sflag:s23] =	ssyncset.done $0x0  }
0xaa: {  	s25 =	simm.s32 $0x1B8E;
	s24 =	sld [smem:$0x3FFE];
	[sflag:s23] =	ssyncadd.s32 $0xFFFFFFFF  }
0xab: {  	s26 =	simm.s32 $execute0_lowered;
	[smem:$0x3FD2] =	sst s25  }
0xac: {  	s6 =	sshll.u32 s26, $0x1;
	_ =	strace $0x80000046;
	[dreg:$0x1] =	wrdreg $0xFFFFFFFF  }
0xad: {  	s28 =	simm.s32 $_size_execute0_lowered;
	s4 =	sadd.s32 s4, s6;
	[dreg:$0x0] =	wrdreg $0x0  }
0xae: {  	s6 =	sshll.u32 s28, $0x1;
	[dreg:$0x2] =	wrdreg s4  }
0xaf: {  	[dreg:$0x3] =	wrdreg s6  }
0xb0: {  	[dreg:$0x4] =	wrdreg $0xC0  }
0xb1: {  	_ =	task [dreg:s8], $0x5FFFF  }
0xb2: {  	[dreg:$0x1] =	wrdreg $0xFFFFFFFF  }
0xb3: {  	[dreg:$0x0] =	wrdreg $0x60  }
0xb4: {  	[dreg:$0x2] =	wrdreg s17  }
0xb5: {  	[dreg:$0x3] =	wrdreg s16  }
0xb6: {  	[dreg:$0x4] =	wrdreg s24  }
0xb7: {  	[dreg:$0x5] =	wrdreg $0x9  }
0xb8: {  	_ =	task.clear_ibuf [dreg:s8], $0x6FFFF;
	_ =	strace $0x90000046  }
0xb9: {  	s29 =	simm.s32 $0x9;
	_ =	strace $0x80000048  }
0xba: {  	_ =	swait.ge [sflag:s29], $0x1  }
0xbb: {  	[sflag:s29] =	ssyncadd.s32 $0xFFFFFFFF  }
0xbc: {  	_ =	strace $0x90000048  }
0xbd: {  	_ =	sfence  }
0xbe: {  	s30 =	sld [smem:$0x0];
	_ =	sdelay $0x2  }
0xbf: {  	s31 =	sshll.u32 s1, $0xD;
	s1 =	sshrl.u32 s1, $0x2  }
0xc0: {  	s3 =	sand.u32 $0x4000, s31;
	s1 =	sadd.s32 s1, s30  }
0xc1: {  	s0 =	sor.u32 s3, s0;
	s1 =	sshll.u32 s1, $0x11  }
0xc2: {  	s0 =	sor.u32 s1, s0  }
0xc3: {  	s0 =	sadd.s32 $0x8F2B, s0  }
0xc4: {  	[sflag:s0] =	ssyncadd.remote.s32 $0x1  }
0xc5: {  	_ =	sfence.sel $0xFFFF  }
0xc6: {  	[dreg:$0x0] =	wrdreg $0xFFFFFFFF;
	(pc) =	sbr.abs _section_cstart, $3  }
0xc7: {  	[dreg:$0x1] =	wrdreg $0xFFFFFFFF  }
0xc8: {  	_ =	task.clear_ibuf [dreg:s8], $0x2FFFF;
	_ =	strace $0x9FFFFFFF  }
0xc9: {  	(tm) =	ssettm $0x7FFFFFFF  }
tec
execute0_lowered:
.L_overlay_start_1:
0x0: {  	(tag) =	ssettag $0x1  }
0x1: {  	s1 =	rddreg [dreg:$0x0]  }
0x2: {  	s3 =	rddreg [dreg:$0x1]  }
0x3: {  	s2 =	srdreg.scid;
	s0 =	stileid.u32  }
0x4: {  	s5 =	rddreg [dreg:$0x2];
	s4 =	simm.s32 $0x0;
	s13 =	simm.s32 $0x4F00  }
0x5: {  	s14 =	simm.s32 $0x7680;
	s15 =	simm.s32 $0x9E00;
	s16 =	simm.s32 $0xC580  }
0x6: {  	s17 =	simm.s32 $0x1;
	s18 =	simm.s32 $0x2;
	s19 =	simm.s32 $0xED00  }
0x7: {  	s20 =	simm.s32 $0x3;
	s21 =	simm.s32 $0x11480;
	s22 =	simm.s32 $0x4  }
0x8: {  	s23 =	simm.s32 $0x0;
	s6 =	sand.u32 $0x1, s2;
	s7 =	sshll.u32 s0, $0x1  }
0x9: {  	s2 =	rddreg [dreg:$0x3];
	s7 =	sor.u32 s6, s7;
	s6 =	ssub.s32 $0x2, s6  }
0xa: {  	[smem:$0x7FF] =	sst s4;
	s7 =	smul.u32 $0x2710, s7;
	s31 =	sshrl.u32 s6, $0x1  }
0xb: {  	s8 =	sadd.s32 $0x1600, s5;
	s9 =	sadd.s32 $0x15000, s5;
	s11 =	ssub.s32 s6, s31  }
0xc: {  	_ =	strace $0x80000047;
	s7 =	sshrl.u32 s7, $0x3;
	s11 =	smax.u32 s11, $0x1  }
0xd: {  	s10 =	sadd.s32 s7, s5;
	s5 =	sadd.s32 s8, s7;
	s12 =	sadd.s32 $0x9C40, s7  }
0xe: {  	s7 =	sadd.s32 s9, s7;
	s6 =	sadd.s32 s8, s12;
	s8 =	sadd.s32 s9, s12  }
0xf: {  	s9 =	sadd.s32 $0x28A00, s10;
	s10 =	sadd.s32 $0x32800, s10;
	s12 =	simm.s32 $0x2780  }
.LBB2_1:
0x10: {  	[tilespmem:s4], [sflag:$0x1] =	stream.linear.gather [hbm4b:s1+s4], $0x2780, $0x38;
	[tilespmem:$0x13C00] =	vst v63  }
0x11: {  	_ = 	snop  }
0x12: {  	[tilespmem:s12], [sflag:$0x1] =	stream.linear.gather [hbm4b:s3+s4], $0x2780, $0x38;
	[tilespmem:$0x13C00] =	vst v63  }
0x13: {  	_ = 	snop  }
0x14: {  	[tilespmem:s13], [sflag:$0x2] =	stream.linear.gather [hbm4b:s5+s4], $0x2710, $0x38;
	[tilespmem:$0x13C00] =	vst v63  }
0x15: {  	_ = 	snop  }
0x16: {  	[tilespmem:s14], [sflag:$0x2] =	stream.linear.gather [hbm4b:s6+s4], $0x2710, $0x38;
	[tilespmem:$0x13C00] =	vst v63  }
0x17: {  	_ = 	snop  }
0x18: {  	[tilespmem:s15], [sflag:$0x3] =	stream.linear.gather [hbm4b:s7+s4], $0x2710, $0x38;
	[tilespmem:$0x13C00] =	vst v63  }
0x19: {  	_ = 	snop  }
0x1a: {  	[tilespmem:s16], [sflag:$0x3] =	stream.linear.gather [hbm4b:s8+s4], $0x2710, $0x38;
	[tilespmem:$0x13C00] =	vst v63  }
0x1b: {  	_ =	swait.ge [sflag:s17], $0x2780  }
0x1c: {  	[sflag:s17] =	ssyncset.done $0x0  }
0x1d: {  	[sflag:s17] =	ssyncadd.s32 $0xFFFFD880  }
0x1e: {  	_ =	swait.ge [sflag:s17], $0x2780  }
0x1f: {  	[sflag:s17] =	ssyncset.done $0x0  }
0x20: {  	[sflag:s17] =	ssyncadd.s32 $0xFFFFD880  }
0x21: {  	_ =	swait.ge [sflag:s18], $0x2710  }
0x22: {  	[sflag:s18] =	ssyncset.done $0x0  }
0x23: {  	[sflag:s18] =	ssyncadd.s32 $0xFFFFD8F0  }
0x24: {  	_ =	swait.ge [sflag:s18], $0x2710  }
0x25: {  	s25 =	simm.s32 $0x0;
	[sflag:s18] =	ssyncset.done $0x0  }
0x26: {  	s24 =	sand.u32 $0x3FF0, s25;
	[sflag:s18] =	ssyncadd.s32 $0xFFFFD8F0  }
0x27: {  	v4 =	vld [tilespmem:s24+$0x5080]  }
0x28: {  	v5 =	vld [tilespmem:s24+$0x7800]  }
0x29: {  	v3 =	vld [tilespmem:s24+$0x4F80]  }
0x2a: {  	v2 =	vld [tilespmem:s24+$0x7700]  }
0x2b: {  	v0 =	vld [tilespmem:s24+$0x5000]  }
0x2c: {  	s26 =	simm.s32 $0x4FC0;
	v1 =	vld [tilespmem:s24+$0x7780]  }
0x2d: {  	s28 =	simm.s32 $0x7740;
	v6 =	vld [tilespmem:s26+$0xB0]  }
0x2e: {  	v7 =	vld [tilespmem:s28+$0xB0]  }
0x2f: {  	v8 =	vld [tilespmem:s26+$0xFFFFFF40]  }
0x30: {  	v9 =	vld [tilespmem:s28+$0xFFFFFF40]  }
0x31: {  	v10 =	vld [tilespmem:s26+$0xFFFFFF50]  }
0x32: {  	v11 =	vld [tilespmem:s28+$0xFFFFFF50]  }
0x33: {  	v12 =	vld [tilespmem:s26+$0xFFFFFF60]  }
0x34: {  	v13 =	vld [tilespmem:s28+$0xFFFFFF60]  }
0x35: {  	v14 =	vld [tilespmem:s26+$0xFFFFFF70]  }
0x36: {  	v15 =	vld [tilespmem:s28+$0xFFFFFF70]  }
0x37: {  	v16 =	vld [tilespmem:s26+$0xFFFFFF80]  }
0x38: {  	v17 =	vld [tilespmem:s28+$0xFFFFFF80]  }
0x39: {  	v18 =	vld [tilespmem:s26+$0xFFFFFF90]  }
0x3a: {  	v19 =	vld [tilespmem:s28+$0xFFFFFF90]  }
0x3b: {  	v20 =	vld [tilespmem:s26+$0xFFFFFFA0]  }
0x3c: {  	v21 =	vld [tilespmem:s28+$0xFFFFFFA0]  }
0x3d: {  	v22 =	vld [tilespmem:s26+$0xFFFFFFB0]  }
0x3e: {  	v23 =	vld [tilespmem:s28+$0xFFFFFFB0]  }
0x3f: {  	v24 =	vld [tilespmem:s26+$0xFFFFFFD0]  }
0x40: {  	v25 =	vld [tilespmem:s28+$0xFFFFFFD0]  }
0x41: {  	v26 =	vld [tilespmem:s26+$0xFFFFFFE0]  }
0x42: {  	v27 =	vld [tilespmem:s28+$0xFFFFFFE0]  }
0x43: {  	v28 =	vld [tilespmem:s26+$0xFFFFFFF0]  }
0x44: {  	v29 =	vld [tilespmem:s28+$0xFFFFFFF0]  }
0x45: {  	v30 =	vld [tilespmem:s26+$0x0]  }
0x46: {  	v31 =	vld [tilespmem:s28+$0x0]  }
0x47: {  	v32 =	vld [tilespmem:s26+$0x10]  }
0x48: {  	v33 =	vld [tilespmem:s28+$0x10]  }
0x49: {  	v34 =	vld [tilespmem:s26+$0x20]  }
0x4a: {  	v35 =	vld [tilespmem:s28+$0x20]  }
0x4b: {  	v36 =	vld [tilespmem:s26+$0x30]  }
0x4c: {  	v37 =	vld [tilespmem:s28+$0x30]  }
0x4d: {  	v38 =	vld [tilespmem:s26+$0x50]  }
0x4e: {  	v39 =	vld [tilespmem:s28+$0x50]  }
0x4f: {  	v40 =	vld [tilespmem:s26+$0x60]  }
0x50: {  	v41 =	vld [tilespmem:s28+$0x60]  }
0x51: {  	v42 =	vld [tilespmem:s26+$0x70]  }
0x52: {  	v43 =	vld [tilespmem:s28+$0x70]  }
0x53: {  	v44 =	vld [tilespmem:s26+$0x80]  }
0x54: {  	v45 =	vld [tilespmem:s28+$0x80]  }
0x55: {  	v46 =	vld [tilespmem:s26+$0x90]  }
0x56: {  	v47 =	vld [tilespmem:s28+$0x90]  }
0x57: {  	v48 =	vld [tilespmem:s26+$0xA0]  }
0x58: {  	v49 =	vld [tilespmem:s28+$0xA0]  }
0x59: {  	v4 =	vld.idx.msk [tilespmem:v4+s4+$0x0], $0xffff  }
0x5a: {  	v5 =	vld.idx.msk [tilespmem:v5+s12+$0x0], $0xffff  }
0x5b: {  	v6 =	vld.idx.msk [tilespmem:v6+s4+$0x0], $0xffff  }
0x5c: {  	v7 =	vld.idx.msk [tilespmem:v7+s12+$0x0], $0xffff  }
0x5d: {  	v8 =	vld.idx.msk [tilespmem:v8+s4+$0x0], $0xffff  }
0x5e: {  	v9 =	vld.idx.msk [tilespmem:v9+s12+$0x0], $0xffff  }
0x5f: {  	v10 =	vld.idx.msk [tilespmem:v10+s4+$0x0], $0xffff  }
0x60: {  	v11 =	vld.idx.msk [tilespmem:v11+s12+$0x0], $0xffff  }
0x61: {  	v12 =	vld.idx.msk [tilespmem:v12+s4+$0x0], $0xffff  }
0x62: {  	v13 =	vld.idx.msk [tilespmem:v13+s12+$0x0], $0xffff  }
0x63: {  	v14 =	vld.idx.msk [tilespmem:v14+s4+$0x0], $0xffff  }
0x64: {  	v15 =	vld.idx.msk [tilespmem:v15+s12+$0x0], $0xffff  }
0x65: {  	v16 =	vld.idx.msk [tilespmem:v16+s4+$0x0], $0xffff  }
0x66: {  	v17 =	vld.idx.msk [tilespmem:v17+s12+$0x0], $0xffff  }
0x67: {  	v18 =	vld.idx.msk [tilespmem:v18+s4+$0x0], $0xffff  }
0x68: {  	v19 =	vld.idx.msk [tilespmem:v19+s12+$0x0], $0xffff  }
0x69: {  	v20 =	vld.idx.msk [tilespmem:v20+s4+$0x0], $0xffff  }
0x6a: {  	v21 =	vld.idx.msk [tilespmem:v21+s12+$0x0], $0xffff  }
0x6b: {  	v22 =	vld.idx.msk [tilespmem:v22+s4+$0x0], $0xffff  }
0x6c: {  	v23 =	vld.idx.msk [tilespmem:v23+s12+$0x0], $0xffff  }
0x6d: {  	v24 =	vld.idx.msk [tilespmem:v24+s4+$0x0], $0xffff  }
0x6e: {  	v25 =	vld.idx.msk [tilespmem:v25+s12+$0x0], $0xffff  }
0x6f: {  	v26 =	vld.idx.msk [tilespmem:v26+s4+$0x0], $0xffff  }
0x70: {  	v27 =	vld.idx.msk [tilespmem:v27+s12+$0x0], $0xffff  }
0x71: {  	v28 =	vld.idx.msk [tilespmem:v28+s4+$0x0], $0xffff  }
0x72: {  	v56 =	vld.idx.msk [tilespmem:v35+s12+$0x0], $0xffff;
	v4 =	vadd.f32 v5, v4  }
0x73: {  	v57 =	vld.idx.msk [tilespmem:v36+s4+$0x0], $0xffff;
	v6 =	vadd.f32 v7, v6  }
0x74: {  	s29 =	simm.s32 $0xEDC0;
	v58 =	vld.idx.msk [tilespmem:v37+s12+$0x0], $0xffff;
	[tilespmem:s24+$0xEE80] =	vst v4;
	v4 =	vadd.f32 v9, v8  }
0x75: {  	v59 =	vld.idx.msk [tilespmem:v38+s4+$0x0], $0xffff;
	[tilespmem:s29+$0xB0] =	vst v6;
	v6 =	vadd.f32 v11, v10  }
0x76: {  	v60 =	vld.idx.msk [tilespmem:v39+s12+$0x0], $0xffff;
	[tilespmem:s29+$0xFFFFFF40] =	vst v4;
	v4 =	vadd.f32 v13, v12  }
0x77: {  	v5 =	vld.idx.msk [tilespmem:v29+s12+$0x0], $0xffff;
	[tilespmem:s29+$0xFFFFFF50] =	vst v6;
	v6 =	vadd.f32 v15, v14  }
0x78: {  	v7 =	vld.idx.msk [tilespmem:v30+s4+$0x0], $0xffff;
	[tilespmem:s29+$0xFFFFFF60] =	vst v4;
	v4 =	vadd.f32 v17, v16  }
0x79: {  	v8 =	vld.idx.msk [tilespmem:v31+s12+$0x0], $0xffff;
	[tilespmem:s29+$0xFFFFFF70] =	vst v6;
	v6 =	vadd.f32 v19, v18  }
0x7a: {  	v9 =	vld.idx.msk [tilespmem:v32+s4+$0x0], $0xffff;
	[tilespmem:s29+$0xFFFFFF80] =	vst v4;
	v4 =	vadd.f32 v21, v20  }
0x7b: {  	v10 =	vld.idx.msk [tilespmem:v33+s12+$0x0], $0xffff;
	[tilespmem:s29+$0xFFFFFF90] =	vst v6;
	v6 =	vadd.f32 v23, v22  }
0x7c: {  	v61 =	vld.idx.msk [tilespmem:v40+s4+$0x0], $0xffff;
	[tilespmem:s29+$0xFFFFFFA0] =	vst v4;
	v4 =	vadd.f32 v25, v24  }
0x7d: {  	v62 =	vld.idx.msk [tilespmem:v41+s12+$0x0], $0xffff;
	[tilespmem:s29+$0xFFFFFFB0] =	vst v6;
	v6 =	vadd.f32 v27, v26  }
0x7e: {  	v11 =	vld.idx.msk [tilespmem:v34+s4+$0x0], $0xffff;
	[tilespmem:s29+$0xFFFFFFD0] =	vst v4;
	v4 =	vadd.f32 v5, v28  }
0x7f: {  	v63 =	vld.idx.msk [tilespmem:v42+s4+$0x0], $0xffff;
	[tilespmem:s29+$0xFFFFFFE0] =	vst v6;
	v5 =	vadd.f32 v8, v7  }
0x80: {  	v6 =	vadd.f32 v10, v9;
	v9 =	vld.idx.msk [tilespmem:v43+s12+$0x0], $0xffff;
	[tilespmem:s29+$0xFFFFFFF0] =	vst v4  }
0x81: {  	v7 =	vadd.f32 v58, v57;
	v8 =	vld.idx.msk [tilespmem:v47+s12+$0x0], $0xffff;
	[tilespmem:s29+$0x0] =	vst v5  }
0x82: {  	v10 =	vadd.f32 v60, v59;
	v4 =	vld.idx.msk [tilespmem:v44+s4+$0x0], $0xffff;
	[tilespmem:s29+$0x10] =	vst v6  }
0x83: {  	v5 =	vadd.f32 v56, v11;
	v6 =	vld.idx.msk [tilespmem:v45+s12+$0x0], $0xffff;
	[tilespmem:s29+$0x30] =	vst v7  }
0x84: {  	v11 =	vadd.f32 v62, v61;
	[tilespmem:s29+$0x50] =	vst v10;
	v7 =	vld.idx.msk [tilespmem:v48+s4+$0x0], $0xffff  }
0x85: {  	[tilespmem:s29+$0x20] =	vst v5;
	v5 =	vld.idx.msk [tilespmem:v46+s4+$0x0], $0xffff  }
0x86: {  	[tilespmem:s29+$0x60] =	vst v11;
	v10 =	vadd.f32 v9, v63;
	v9 =	vld.idx.msk [tilespmem:v49+s12+$0x0], $0xffff  }
.LBB2_2:
0x87: {  	s25 =	sadd.s32 $0x190, s25;
	v11 =	vld.idx.msk [tilespmem:v3+s4+$0x0], $0xffff  }
0x88: {  	s30 =	sand.u32 $0x3FF0, s25;
	p0 =	slt.u32 s25, $0x2580;
	v12 =	vld.idx.msk [tilespmem:v2+s12+$0x0], $0xffff;
	[tilespmem:s29+$0x70] =	vst v10;
	v2 =	vadd.f32 v6, v4  }
0x89: {  	v4 =	vld [tilespmem:s30+$0x5080]  }
0x8a: {  	v5 =	vadd.f32 v8, v5;
	v6 =	vld [tilespmem:s30+$0x7800];
	[tilespmem:s29+$0x80] =	vst v2  }
0x8b: {  	v3 =	vld [tilespmem:s30+$0x4F80]  }
0x8c: {  	v2 =	vld [tilespmem:s30+$0x7700];
	[tilespmem:s29+$0x90] =	vst v5;
	v5 =	vadd.f32 v9, v7  }
0x8d: {  	v7 =	vld [tilespmem:s30+$0x5000]  }
0x8e: {  	v9 =	vadd.f32 v12, v11;
	v8 =	vld [tilespmem:s30+$0x7780];
	[tilespmem:s29+$0xA0] =	vst v5  }
0x8f: {  	v5 =	vld.idx.msk [tilespmem:v0+s4+$0x0], $0xffff  }
0x90: {  	[tilespmem:s24+$0xED80] =	vst v9;
	v9 =	vld.idx.msk [tilespmem:v1+s12+$0x0], $0xffff  }
0x91: {  	v4 =	vld.idx.msk [tilespmem:v4+s4+$0x0], $0xffff  }
0x92: {  	s26 =	sadd.s32 $0x190, s26;
	v6 =	vld.idx.msk [tilespmem:v6+s12+$0x0], $0xffff;
	v0 =	vmov v7  }
0x93: {  	s28 =	sadd.s32 $0x190, s28;
	v7 =	vld [tilespmem:s26+$0xB0];
	v1 =	vmov v8  }
0x94: {  	v8 =	vld [tilespmem:s28+$0xB0]  }
0x95: {  	v10 =	vld [tilespmem:s26+$0xFFFFFF40]  }
0x96: {  	v5 =	vadd.f32 v9, v5;
	v11 =	vld [tilespmem:s28+$0xFFFFFF40]  }
0x97: {  	v9 =	vld [tilespmem:s26+$0xFFFFFF50]  }
0x98: {  	v12 =	vld [tilespmem:s28+$0xFFFFFF50];
	[tilespmem:s24+$0xEE00] =	vst v5;
	s24 =	smov.u32 s30  }
0x99: {  	v5 =	vld [tilespmem:s26+$0xFFFFFF60]  }
0x9a: {  	v13 =	vld [tilespmem:s28+$0xFFFFFF60]  }
0x9b: {  	v7 =	vld.idx.msk [tilespmem:v7+s4+$0x0], $0xffff  }
0x9c: {  	v8 =	vld.idx.msk [tilespmem:v8+s12+$0x0], $0xffff  }
0x9d: {  	v14 =	vld [tilespmem:s26+$0xFFFFFF70]  }
0x9e: {  	v15 =	vld [tilespmem:s28+$0xFFFFFF70]  }
0x9f: {  	v16 =	vld [tilespmem:s26+$0xFFFFFF80]  }
0xa0: {  	v17 =	vld [tilespmem:s28+$0xFFFFFF80]  }
0xa1: {  	v4 =	vadd.f32 v6, v4;
	v18 =	vld [tilespmem:s26+$0xFFFFFF90]  }
0xa2: {  	v7 =	vadd.f32 v8, v7;
	v6 =	vld [tilespmem:s28+$0xFFFFFF90]  }
0xa3: {  	s29 =	sadd.s32 $0x190, s29;
	v8 =	vld [tilespmem:s26+$0xFFFFFFA0];
	[tilespmem:s24+$0xEE80] =	vst v4  }
0xa4: {  	v4 =	vld [tilespmem:s28+$0xFFFFFFA0];
	[tilespmem:s29+$0xB0] =	vst v7  }
0xa5: {  	v7 =	vld [tilespmem:s26+$0xFFFFFFB0]  }
0xa6: {  	v19 =	vld [tilespmem:s28+$0xFFFFFFB0]  }
0xa7: {  	v20 =	vld [tilespmem:s26+$0xFFFFFFD0]  }
0xa8: {  	v21 =	vld [tilespmem:s28+$0xFFFFFFD0]  }
0xa9: {  	v22 =	vld [tilespmem:s26+$0xFFFFFFE0]  }
0xaa: {  	v23 =	vld [tilespmem:s28+$0xFFFFFFE0]  }
0xab: {  	v24 =	vld [tilespmem:s26+$0xFFFFFFF0]  }
0xac: {  	v25 =	vld [tilespmem:s28+$0xFFFFFFF0]  }
0xad: {  	v26 =	vld [tilespmem:s26+$0x0]  }
0xae: {  	v27 =	vld [tilespmem:s28+$0x0]  }
0xaf: {  	v28 =	vld [tilespmem:s26+$0x10]  }
0xb0: {  	v29 =	vld [tilespmem:s28+$0x10]  }
0xb1: {  	v30 =	vld [tilespmem:s26+$0x20]  }
0xb2: {  	v31 =	vld [tilespmem:s28+$0x20]  }
0xb3: {  	v32 =	vld [tilespmem:s26+$0x30]  }
0xb4: {  	v33 =	vld [tilespmem:s28+$0x30]  }
0xb5: {  	v34 =	vld [tilespmem:s26+$0x50]  }
0xb6: {  	v35 =	vld [tilespmem:s28+$0x50]  }
0xb7: {  	v36 =	vld [tilespmem:s26+$0x60]  }
0xb8: {  	v37 =	vld [tilespmem:s28+$0x60]  }
0xb9: {  	v38 =	vld [tilespmem:s26+$0x70]  }
0xba: {  	v39 =	vld [tilespmem:s28+$0x70]  }
0xbb: {  	v40 =	vld [tilespmem:s26+$0x80]  }
0xbc: {  	v41 =	vld [tilespmem:s28+$0x80]  }
0xbd: {  	v42 =	vld [tilespmem:s26+$0x90]  }
0xbe: {  	v43 =	vld [tilespmem:s28+$0x90]  }
0xbf: {  	v44 =	vld [tilespmem:s26+$0xA0]  }
0xc0: {  	v45 =	vld [tilespmem:s28+$0xA0]  }
0xc1: {  	v10 =	vld.idx.msk [tilespmem:v10+s4+$0x0], $0xffff  }
0xc2: {  	v11 =	vld.idx.msk [tilespmem:v11+s12+$0x0], $0xffff  }
0xc3: {  	v9 =	vld.idx.msk [tilespmem:v9+s4+$0x0], $0xffff  }
0xc4: {  	v12 =	vld.idx.msk [tilespmem:v12+s12+$0x0], $0xffff  }
0xc5: {  	v5 =	vld.idx.msk [tilespmem:v5+s4+$0x0], $0xffff  }
0xc6: {  	v13 =	vld.idx.msk [tilespmem:v13+s12+$0x0], $0xffff  }
0xc7: {  	v14 =	vld.idx.msk [tilespmem:v14+s4+$0x0], $0xffff  }
0xc8: {  	v10 =	vadd.f32 v11, v10;
	v11 =	vld.idx.msk [tilespmem:v15+s12+$0x0], $0xffff  }
0xc9: {  	v15 =	vld.idx.msk [tilespmem:v16+s4+$0x0], $0xffff  }
0xca: {  	v9 =	vadd.f32 v12, v9;
	[tilespmem:s29+$0xFFFFFF40] =	vst v10;
	v10 =	vld.idx.msk [tilespmem:v17+s12+$0x0], $0xffff  }
0xcb: {  	v12 =	vld.idx.msk [tilespmem:v18+s4+$0x0], $0xffff  }
0xcc: {  	v5 =	vadd.f32 v13, v5;
	[tilespmem:s29+$0xFFFFFF50] =	vst v9;
	v6 =	vld.idx.msk [tilespmem:v6+s12+$0x0], $0xffff  }
0xcd: {  	v8 =	vld.idx.msk [tilespmem:v8+s4+$0x0], $0xffff  }
0xce: {  	[tilespmem:s29+$0xFFFFFF60] =	vst v5;
	v5 =	vadd.f32 v11, v14;
	v4 =	vld.idx.msk [tilespmem:v4+s12+$0x0], $0xffff  }
0xcf: {  	v7 =	vld.idx.msk [tilespmem:v7+s4+$0x0], $0xffff  }
0xd0: {  	[tilespmem:s29+$0xFFFFFF70] =	vst v5;
	v5 =	vadd.f32 v10, v15;
	v9 =	vld.idx.msk [tilespmem:v19+s12+$0x0], $0xffff  }
0xd1: {  	v10 =	vld.idx.msk [tilespmem:v20+s4+$0x0], $0xffff  }
0xd2: {  	[tilespmem:s29+$0xFFFFFF80] =	vst v5;
	v5 =	vadd.f32 v6, v12;
	v6 =	vld.idx.msk [tilespmem:v21+s12+$0x0], $0xffff  }
0xd3: {  	v11 =	vld.idx.msk [tilespmem:v22+s4+$0x0], $0xffff  }
0xd4: {  	v4 =	vadd.f32 v4, v8;
	[tilespmem:s29+$0xFFFFFF90] =	vst v5;
	v5 =	vld.idx.msk [tilespmem:v23+s12+$0x0], $0xffff  }
0xd5: {  	v8 =	vld.idx.msk [tilespmem:v24+s4+$0x0], $0xffff  }
0xd6: {  	[tilespmem:s29+$0xFFFFFFA0] =	vst v4;
	v4 =	vadd.f32 v9, v7;
	v7 =	vld.idx.msk [tilespmem:v25+s12+$0x0], $0xffff  }
0xd7: {  	v9 =	vld.idx.msk [tilespmem:v26+s4+$0x0], $0xffff  }
0xd8: {  	[tilespmem:s29+$0xFFFFFFB0] =	vst v4;
	v4 =	vadd.f32 v6, v10;
	v6 =	vld.idx.msk [tilespmem:v27+s12+$0x0], $0xffff  }
0xd9: {  	v10 =	vld.idx.msk [tilespmem:v28+s4+$0x0], $0xffff  }
0xda: {  	[tilespmem:s29+$0xFFFFFFD0] =	vst v4;
	v4 =	vadd.f32 v5, v11;
	v5 =	vld.idx.msk [tilespmem:v29+s12+$0x0], $0xffff  }
0xdb: {  	v11 =	vld.idx.msk [tilespmem:v30+s4+$0x0], $0xffff  }
0xdc: {  	[tilespmem:s29+$0xFFFFFFE0] =	vst v4;
	v4 =	vadd.f32 v7, v8;
	v7 =	vld.idx.msk [tilespmem:v31+s12+$0x0], $0xffff  }
0xdd: {  	v8 =	vld.idx.msk [tilespmem:v32+s4+$0x0], $0xffff  }
0xde: {  	[tilespmem:s29+$0xFFFFFFF0] =	vst v4;
	v4 =	vadd.f32 v6, v9;
	v6 =	vld.idx.msk [tilespmem:v33+s12+$0x0], $0xffff  }
0xdf: {  	v9 =	vld.idx.msk [tilespmem:v34+s4+$0x0], $0xffff  }
0xe0: {  	[tilespmem:s29+$0x0] =	vst v4;
	v4 =	vadd.f32 v5, v10;
	v5 =	vld.idx.msk [tilespmem:v35+s12+$0x0], $0xffff  }
0xe1: {  	v10 =	vld.idx.msk [tilespmem:v36+s4+$0x0], $0xffff  }
0xe2: {  	[tilespmem:s29+$0x10] =	vst v4;
	v4 =	vadd.f32 v7, v11;
	v7 =	vld.idx.msk [tilespmem:v37+s12+$0x0], $0xffff  }
0xe3: {  	v11 =	vld.idx.msk [tilespmem:v38+s4+$0x0], $0xffff  }
0xe4: {  	v6 =	vadd.f32 v6, v8;
	[tilespmem:s29+$0x20] =	vst v4;
	v12 =	vld.idx.msk [tilespmem:v39+s12+$0x0], $0xffff  }
0xe5: {  	v4 =	vld.idx.msk [tilespmem:v40+s4+$0x0], $0xffff  }
.Ltmp0:
0xe6: {  	v8 =	vadd.f32 v5, v9;
	[tilespmem:s29+$0x30] =	vst v6;
	v6 =	vld.idx.msk [tilespmem:v41+s12+$0x0], $0xffff;
	(pc) =	sbr.rel @p0 .LBB2_2-.Ltmp0, $4  }
0xe7: {  	v5 =	vld.idx.msk [tilespmem:v42+s4+$0x0], $0xffff  }
0xe8: {  	v9 =	vadd.f32 v7, v10;
	[tilespmem:s29+$0x50] =	vst v8;
	v8 =	vld.idx.msk [tilespmem:v43+s12+$0x0], $0xffff  }
0xe9: {  	v7 =	vld.idx.msk [tilespmem:v44+s4+$0x0], $0xffff  }
0xea: {  	v10 =	vadd.f32 v12, v11;
	[tilespmem:s29+$0x60] =	vst v9;
	v9 =	vld.idx.msk [tilespmem:v45+s12+$0x0], $0xffff  }
0xeb: {  	_ =	sdelay $0x3  }
0xec: {  	v3 =	vld.idx.msk [tilespmem:v3+s4+$0x0], $0xffff  }
0xed: {  	v2 =	vld.idx.msk [tilespmem:v2+s12+$0x0], $0xffff  }
0xee: {  	v0 =	vld.idx.msk [tilespmem:v0+s4+$0x0], $0xffff  }
0xef: {  	v1 =	vld.idx.msk [tilespmem:v1+s12+$0x0], $0xffff  }
0xf0: {  	v4 =	vadd.f32 v6, v4  }
0xf1: {  	[tilespmem:s29+$0x70] =	vst v10;
	v5 =	vadd.f32 v8, v5  }
0xf2: {  	[tilespmem:s29+$0x80] =	vst v4;
	v4 =	vadd.f32 v9, v7  }
0xf3: {  	[tilespmem:s29+$0x90] =	vst v5;
	v2 =	vadd.f32 v2, v3  }
0xf4: {  	v0 =	vadd.f32 v1, v0;
	[tilespmem:s29+$0xA0] =	vst v4  }
0xf5: {  	[tilespmem:s24+$0xED80] =	vst v2  }
0xf6: {  	[tilespmem:s24+$0xEE00] =	vst v0  }
0xf7: {  	[hbm4b:s9+s4] =	stream.linear.scatter [tilespmem:s19], [sflag:$0x2], $0x2710, $0x38;
	[tilespmem:$0x13C00] =	vst v63  }
0xf8: {  	_ =	swait.ge [sflag:s20], $0x2710  }
0xf9: {  	[sflag:s20] =	ssyncset.done $0x0  }
0xfa: {  	[sflag:s20] =	ssyncadd.s32 $0xFFFFD8F0  }
0xfb: {  	_ =	swait.ge [sflag:s20], $0x2710  }
0xfc: {  	s25 =	simm.s32 $0x0;
	[sflag:s20] =	ssyncset.done $0x0  }
0xfd: {  	s24 =	sand.u32 $0x3FF0, s25;
	[sflag:s20] =	ssyncadd.s32 $0xFFFFD8F0  }
0xfe: {  	v4 =	vld [tilespmem:s24+$0x9F80]  }
0xff: {  	v5 =	vld [tilespmem:s24+$0xC700]  }
0x100: {  	v3 =	vld [tilespmem:s24+$0x9E80]  }
0x101: {  	v2 =	vld [tilespmem:s24+$0xC600]  }
0x102: {  	v0 =	vld [tilespmem:s24+$0x9F00]  }
0x103: {  	s26 =	simm.s32 $0x9EC0;
	v1 =	vld [tilespmem:s24+$0xC680]  }
0x104: {  	s28 =	simm.s32 $0xC640;
	v6 =	vld [tilespmem:s26+$0xB0]  }
0x105: {  	v7 =	vld [tilespmem:s28+$0xB0]  }
0x106: {  	v8 =	vld [tilespmem:s26+$0xFFFFFF40]  }
0x107: {  	v9 =	vld [tilespmem:s28+$0xFFFFFF40]  }
0x108: {  	v10 =	vld [tilespmem:s26+$0xFFFFFF50]  }
0x109: {  	v11 =	vld [tilespmem:s28+$0xFFFFFF50]  }
0x10a: {  	v12 =	vld [tilespmem:s26+$0xFFFFFF60]  }
0x10b: {  	v13 =	vld [tilespmem:s28+$0xFFFFFF60]  }
0x10c: {  	v14 =	vld [tilespmem:s26+$0xFFFFFF70]  }
0x10d: {  	v15 =	vld [tilespmem:s28+$0xFFFFFF70]  }
0x10e: {  	v16 =	vld [tilespmem:s26+$0xFFFFFF80]  }
0x10f: {  	v17 =	vld [tilespmem:s28+$0xFFFFFF80]  }
0x110: {  	v18 =	vld [tilespmem:s26+$0xFFFFFF90]  }
0x111: {  	v19 =	vld [tilespmem:s28+$0xFFFFFF90]  }
0x112: {  	v20 =	vld [tilespmem:s26+$0xFFFFFFA0]  }
0x113: {  	v21 =	vld [tilespmem:s28+$0xFFFFFFA0]  }
0x114: {  	v22 =	vld [tilespmem:s26+$0xFFFFFFB0]  }
0x115: {  	v23 =	vld [tilespmem:s28+$0xFFFFFFB0]  }
0x116: {  	v24 =	vld [tilespmem:s26+$0xFFFFFFD0]  }
0x117: {  	v25 =	vld [tilespmem:s28+$0xFFFFFFD0]  }
0x118: {  	v26 =	vld [tilespmem:s26+$0xFFFFFFE0]  }
0x119: {  	v27 =	vld [tilespmem:s28+$0xFFFFFFE0]  }
0x11a: {  	v28 =	vld [tilespmem:s26+$0xFFFFFFF0]  }
0x11b: {  	v29 =	vld [tilespmem:s28+$0xFFFFFFF0]  }
0x11c: {  	v30 =	vld [tilespmem:s26+$0x0]  }
0x11d: {  	v31 =	vld [tilespmem:s28+$0x0]  }
0x11e: {  	v32 =	vld [tilespmem:s26+$0x10]  }
0x11f: {  	v33 =	vld [tilespmem:s28+$0x10]  }
0x120: {  	v34 =	vld [tilespmem:s26+$0x20]  }
0x121: {  	v35 =	vld [tilespmem:s28+$0x20]  }
0x122: {  	v36 =	vld [tilespmem:s26+$0x30]  }
0x123: {  	v37 =	vld [tilespmem:s28+$0x30]  }
0x124: {  	v38 =	vld [tilespmem:s26+$0x50]  }
0x125: {  	v39 =	vld [tilespmem:s28+$0x50]  }
0x126: {  	v40 =	vld [tilespmem:s26+$0x60]  }
0x127: {  	v41 =	vld [tilespmem:s28+$0x60]  }
0x128: {  	v42 =	vld [tilespmem:s26+$0x70]  }
0x129: {  	v43 =	vld [tilespmem:s28+$0x70]  }
0x12a: {  	v44 =	vld [tilespmem:s26+$0x80]  }
0x12b: {  	v45 =	vld [tilespmem:s28+$0x80]  }
0x12c: {  	v46 =	vld [tilespmem:s26+$0x90]  }
0x12d: {  	v47 =	vld [tilespmem:s28+$0x90]  }
0x12e: {  	v48 =	vld [tilespmem:s26+$0xA0]  }
0x12f: {  	v49 =	vld [tilespmem:s28+$0xA0]  }
0x130: {  	v4 =	vld.idx.msk [tilespmem:v4+s4+$0x0], $0xffff  }
0x131: {  	v5 =	vld.idx.msk [tilespmem:v5+s12+$0x0], $0xffff  }
0x132: {  	v6 =	vld.idx.msk [tilespmem:v6+s4+$0x0], $0xffff  }
0x133: {  	v7 =	vld.idx.msk [tilespmem:v7+s12+$0x0], $0xffff  }
0x134: {  	v8 =	vld.idx.msk [tilespmem:v8+s4+$0x0], $0xffff  }
0x135: {  	v9 =	vld.idx.msk [tilespmem:v9+s12+$0x0], $0xffff  }
0x136: {  	v10 =	vld.idx.msk [tilespmem:v10+s4+$0x0], $0xffff  }
0x137: {  	v11 =	vld.idx.msk [tilespmem:v11+s12+$0x0], $0xffff  }
0x138: {  	v12 =	vld.idx.msk [tilespmem:v12+s4+$0x0], $0xffff  }
0x139: {  	v13 =	vld.idx.msk [tilespmem:v13+s12+$0x0], $0xffff  }
0x13a: {  	v14 =	vld.idx.msk [tilespmem:v14+s4+$0x0], $0xffff  }
0x13b: {  	v15 =	vld.idx.msk [tilespmem:v15+s12+$0x0], $0xffff  }
0x13c: {  	v16 =	vld.idx.msk [tilespmem:v16+s4+$0x0], $0xffff  }
0x13d: {  	v17 =	vld.idx.msk [tilespmem:v17+s12+$0x0], $0xffff  }
0x13e: {  	v18 =	vld.idx.msk [tilespmem:v18+s4+$0x0], $0xffff  }
0x13f: {  	v19 =	vld.idx.msk [tilespmem:v19+s12+$0x0], $0xffff  }
0x140: {  	v20 =	vld.idx.msk [tilespmem:v20+s4+$0x0], $0xffff  }
0x141: {  	v21 =	vld.idx.msk [tilespmem:v21+s12+$0x0], $0xffff  }
0x142: {  	v22 =	vld.idx.msk [tilespmem:v22+s4+$0x0], $0xffff  }
0x143: {  	v23 =	vld.idx.msk [tilespmem:v23+s12+$0x0], $0xffff  }
0x144: {  	v24 =	vld.idx.msk [tilespmem:v24+s4+$0x0], $0xffff  }
0x145: {  	v25 =	vld.idx.msk [tilespmem:v25+s12+$0x0], $0xffff  }
0x146: {  	v26 =	vld.idx.msk [tilespmem:v26+s4+$0x0], $0xffff  }
0x147: {  	v27 =	vld.idx.msk [tilespmem:v27+s12+$0x0], $0xffff  }
0x148: {  	v28 =	vld.idx.msk [tilespmem:v28+s4+$0x0], $0xffff  }
0x149: {  	v56 =	vld.idx.msk [tilespmem:v35+s12+$0x0], $0xffff;
	v4 =	vadd.f32 v5, v4  }
0x14a: {  	v57 =	vld.idx.msk [tilespmem:v36+s4+$0x0], $0xffff;
	v6 =	vadd.f32 v7, v6  }
0x14b: {  	s29 =	simm.s32 $0x11540;
	v58 =	vld.idx.msk [tilespmem:v37+s12+$0x0], $0xffff;
	[tilespmem:s24+$0x11600] =	vst v4;
	v4 =	vadd.f32 v9, v8  }
0x14c: {  	v59 =	vld.idx.msk [tilespmem:v38+s4+$0x0], $0xffff;
	[tilespmem:s29+$0xB0] =	vst v6;
	v6 =	vadd.f32 v11, v10  }
0x14d: {  	v60 =	vld.idx.msk [tilespmem:v39+s12+$0x0], $0xffff;
	[tilespmem:s29+$0xFFFFFF40] =	vst v4;
	v4 =	vadd.f32 v13, v12  }
0x14e: {  	v5 =	vld.idx.msk [tilespmem:v29+s12+$0x0], $0xffff;
	[tilespmem:s29+$0xFFFFFF50] =	vst v6;
	v6 =	vadd.f32 v15, v14  }
0x14f: {  	v7 =	vld.idx.msk [tilespmem:v30+s4+$0x0], $0xffff;
	[tilespmem:s29+$0xFFFFFF60] =	vst v4;
	v4 =	vadd.f32 v17, v16  }
0x150: {  	v8 =	vld.idx.msk [tilespmem:v31+s12+$0x0], $0xffff;
	[tilespmem:s29+$0xFFFFFF70] =	vst v6;
	v6 =	vadd.f32 v19, v18  }
0x151: {  	v9 =	vld.idx.msk [tilespmem:v32+s4+$0x0], $0xffff;
	[tilespmem:s29+$0xFFFFFF80] =	vst v4;
	v4 =	vadd.f32 v21, v20  }
0x152: {  	v10 =	vld.idx.msk [tilespmem:v33+s12+$0x0], $0xffff;
	[tilespmem:s29+$0xFFFFFF90] =	vst v6;
	v6 =	vadd.f32 v23, v22  }
0x153: {  	v61 =	vld.idx.msk [tilespmem:v40+s4+$0x0], $0xffff;
	[tilespmem:s29+$0xFFFFFFA0] =	vst v4;
	v4 =	vadd.f32 v25, v24  }
0x154: {  	v62 =	vld.idx.msk [tilespmem:v41+s12+$0x0], $0xffff;
	[tilespmem:s29+$0xFFFFFFB0] =	vst v6;
	v6 =	vadd.f32 v27, v26  }
0x155: {  	v11 =	vld.idx.msk [tilespmem:v34+s4+$0x0], $0xffff;
	[tilespmem:s29+$0xFFFFFFD0] =	vst v4;
	v4 =	vadd.f32 v5, v28  }
0x156: {  	v63 =	vld.idx.msk [tilespmem:v42+s4+$0x0], $0xffff;
	[tilespmem:s29+$0xFFFFFFE0] =	vst v6;
	v5 =	vadd.f32 v8, v7  }
0x157: {  	v6 =	vadd.f32 v10, v9;
	v9 =	vld.idx.msk [tilespmem:v43+s12+$0x0], $0xffff;
	[tilespmem:s29+$0xFFFFFFF0] =	vst v4  }
0x158: {  	v7 =	vadd.f32 v58, v57;
	v8 =	vld.idx.msk [tilespmem:v47+s12+$0x0], $0xffff;
	[tilespmem:s29+$0x0] =	vst v5  }
0x159: {  	v10 =	vadd.f32 v60, v59;
	v4 =	vld.idx.msk [tilespmem:v44+s4+$0x0], $0xffff;
	[tilespmem:s29+$0x10] =	vst v6  }
0x15a: {  	v5 =	vadd.f32 v56, v11;
	v6 =	vld.idx.msk [tilespmem:v45+s12+$0x0], $0xffff;
	[tilespmem:s29+$0x30] =	vst v7  }
0x15b: {  	v11 =	vadd.f32 v62, v61;
	[tilespmem:s29+$0x50] =	vst v10;
	v7 =	vld.idx.msk [tilespmem:v48+s4+$0x0], $0xffff  }
0x15c: {  	[tilespmem:s29+$0x20] =	vst v5;
	v5 =	vld.idx.msk [tilespmem:v46+s4+$0x0], $0xffff  }
0x15d: {  	[tilespmem:s29+$0x60] =	vst v11;
	v10 =	vadd.f32 v9, v63;
	v9 =	vld.idx.msk [tilespmem:v49+s12+$0x0], $0xffff  }
.LBB2_4:
0x15e: {  	s25 =	sadd.s32 $0x190, s25;
	v11 =	vld.idx.msk [tilespmem:v3+s4+$0x0], $0xffff  }
0x15f: {  	s30 =	sand.u32 $0x3FF0, s25;
	p0 =	slt.u32 s25, $0x2580;
	v12 =	vld.idx.msk [tilespmem:v2+s12+$0x0], $0xffff;
	[tilespmem:s29+$0x70] =	vst v10;
	v2 =	vadd.f32 v6, v4  }
0x160: {  	v4 =	vld [tilespmem:s30+$0x9F80]  }
0x161: {  	v5 =	vadd.f32 v8, v5;
	v6 =	vld [tilespmem:s30+$0xC700];
	[tilespmem:s29+$0x80] =	vst v2  }
0x162: {  	v3 =	vld [tilespmem:s30+$0x9E80]  }
0x163: {  	v2 =	vld [tilespmem:s30+$0xC600];
	[tilespmem:s29+$0x90] =	vst v5;
	v5 =	vadd.f32 v9, v7  }
0x164: {  	v7 =	vld [tilespmem:s30+$0x9F00]  }
0x165: {  	v9 =	vadd.f32 v12, v11;
	v8 =	vld [tilespmem:s30+$0xC680];
	[tilespmem:s29+$0xA0] =	vst v5  }
0x166: {  	v5 =	vld.idx.msk [tilespmem:v0+s4+$0x0], $0xffff  }
0x167: {  	[tilespmem:s24+$0x11500] =	vst v9;
	v9 =	vld.idx.msk [tilespmem:v1+s12+$0x0], $0xffff  }
0x168: {  	v4 =	vld.idx.msk [tilespmem:v4+s4+$0x0], $0xffff  }
0x169: {  	s26 =	sadd.s32 $0x190, s26;
	v6 =	vld.idx.msk [tilespmem:v6+s12+$0x0], $0xffff;
	v0 =	vmov v7  }
0x16a: {  	s28 =	sadd.s32 $0x190, s28;
	v7 =	vld [tilespmem:s26+$0xB0];
	v1 =	vmov v8  }
0x16b: {  	v8 =	vld [tilespmem:s28+$0xB0]  }
0x16c: {  	v10 =	vld [tilespmem:s26+$0xFFFFFF40]  }
0x16d: {  	v5 =	vadd.f32 v9, v5;
	v11 =	vld [tilespmem:s28+$0xFFFFFF40]  }
0x16e: {  	v9 =	vld [tilespmem:s26+$0xFFFFFF50]  }
0x16f: {  	v12 =	vld [tilespmem:s28+$0xFFFFFF50];
	[tilespmem:s24+$0x11580] =	vst v5;
	s24 =	smov.u32 s30  }
0x170: {  	v5 =	vld [tilespmem:s26+$0xFFFFFF60]  }
0x171: {  	v13 =	vld [tilespmem:s28+$0xFFFFFF60]  }
0x172: {  	v7 =	vld.idx.msk [tilespmem:v7+s4+$0x0], $0xffff  }
0x173: {  	v8 =	vld.idx.msk [tilespmem:v8+s12+$0x0], $0xffff  }
0x174: {  	v14 =	vld [tilespmem:s26+$0xFFFFFF70]  }
0x175: {  	v15 =	vld [tilespmem:s28+$0xFFFFFF70]  }
0x176: {  	v16 =	vld [tilespmem:s26+$0xFFFFFF80]  }
0x177: {  	v17 =	vld [tilespmem:s28+$0xFFFFFF80]  }
0x178: {  	v4 =	vadd.f32 v6, v4;
	v18 =	vld [tilespmem:s26+$0xFFFFFF90]  }
0x179: {  	v7 =	vadd.f32 v8, v7;
	v6 =	vld [tilespmem:s28+$0xFFFFFF90]  }
0x17a: {  	s29 =	sadd.s32 $0x190, s29;
	v8 =	vld [tilespmem:s26+$0xFFFFFFA0];
	[tilespmem:s24+$0x11600] =	vst v4  }
0x17b: {  	v4 =	vld [tilespmem:s28+$0xFFFFFFA0];
	[tilespmem:s29+$0xB0] =	vst v7  }
0x17c: {  	v7 =	vld [tilespmem:s26+$0xFFFFFFB0]  }
0x17d: {  	v19 =	vld [tilespmem:s28+$0xFFFFFFB0]  }
0x17e: {  	v20 =	vld [tilespmem:s26+$0xFFFFFFD0]  }
0x17f: {  	v21 =	vld [tilespmem:s28+$0xFFFFFFD0]  }
0x180: {  	v22 =	vld [tilespmem:s26+$0xFFFFFFE0]  }
0x181: {  	v23 =	vld [tilespmem:s28+$0xFFFFFFE0]  }
0x182: {  	v24 =	vld [tilespmem:s26+$0xFFFFFFF0]  }
0x183: {  	v25 =	vld [tilespmem:s28+$0xFFFFFFF0]  }
0x184: {  	v26 =	vld [tilespmem:s26+$0x0]  }
0x185: {  	v27 =	vld [tilespmem:s28+$0x0]  }
0x186: {  	v28 =	vld [tilespmem:s26+$0x10]  }
0x187: {  	v29 =	vld [tilespmem:s28+$0x10]  }
0x188: {  	v30 =	vld [tilespmem:s26+$0x20]  }
0x189: {  	v31 =	vld [tilespmem:s28+$0x20]  }
0x18a: {  	v32 =	vld [tilespmem:s26+$0x30]  }
0x18b: {  	v33 =	vld [tilespmem:s28+$0x30]  }
0x18c: {  	v34 =	vld [tilespmem:s26+$0x50]  }
0x18d: {  	v35 =	vld [tilespmem:s28+$0x50]  }
0x18e: {  	v36 =	vld [tilespmem:s26+$0x60]  }
0x18f: {  	v37 =	vld [tilespmem:s28+$0x60]  }
0x190: {  	v38 =	vld [tilespmem:s26+$0x70]  }
0x191: {  	v39 =	vld [tilespmem:s28+$0x70]  }
0x192: {  	v40 =	vld [tilespmem:s26+$0x80]  }
0x193: {  	v41 =	vld [tilespmem:s28+$0x80]  }
0x194: {  	v42 =	vld [tilespmem:s26+$0x90]  }
0x195: {  	v43 =	vld [tilespmem:s28+$0x90]  }
0x196: {  	v44 =	vld [tilespmem:s26+$0xA0]  }
0x197: {  	v45 =	vld [tilespmem:s28+$0xA0]  }
0x198: {  	v10 =	vld.idx.msk [tilespmem:v10+s4+$0x0], $0xffff  }
0x199: {  	v11 =	vld.idx.msk [tilespmem:v11+s12+$0x0], $0xffff  }
0x19a: {  	v9 =	vld.idx.msk [tilespmem:v9+s4+$0x0], $0xffff  }
0x19b: {  	v12 =	vld.idx.msk [tilespmem:v12+s12+$0x0], $0xffff  }
0x19c: {  	v5 =	vld.idx.msk [tilespmem:v5+s4+$0x0], $0xffff  }
0x19d: {  	v13 =	vld.idx.msk [tilespmem:v13+s12+$0x0], $0xffff  }
0x19e: {  	v14 =	vld.idx.msk [tilespmem:v14+s4+$0x0], $0xffff  }
0x19f: {  	v10 =	vadd.f32 v11, v10;
	v11 =	vld.idx.msk [tilespmem:v15+s12+$0x0], $0xffff  }
0x1a0: {  	v15 =	vld.idx.msk [tilespmem:v16+s4+$0x0], $0xffff  }
0x1a1: {  	v9 =	vadd.f32 v12, v9;
	[tilespmem:s29+$0xFFFFFF40] =	vst v10;
	v10 =	vld.idx.msk [tilespmem:v17+s12+$0x0], $0xffff  }
0x1a2: {  	v12 =	vld.idx.msk [tilespmem:v18+s4+$0x0], $0xffff  }
0x1a3: {  	v5 =	vadd.f32 v13, v5;
	[tilespmem:s29+$0xFFFFFF50] =	vst v9;
	v6 =	vld.idx.msk [tilespmem:v6+s12+$0x0], $0xffff  }
0x1a4: {  	v8 =	vld.idx.msk [tilespmem:v8+s4+$0x0], $0xffff  }
0x1a5: {  	[tilespmem:s29+$0xFFFFFF60] =	vst v5;
	v5 =	vadd.f32 v11, v14;
	v4 =	vld.idx.msk [tilespmem:v4+s12+$0x0], $0xffff  }
0x1a6: {  	v7 =	vld.idx.msk [tilespmem:v7+s4+$0x0], $0xffff  }
0x1a7: {  	[tilespmem:s29+$0xFFFFFF70] =	vst v5;
	v5 =	vadd.f32 v10, v15;
	v9 =	vld.idx.msk [tilespmem:v19+s12+$0x0], $0xffff  }
0x1a8: {  	v10 =	vld.idx.msk [tilespmem:v20+s4+$0x0], $0xffff  }
0x1a9: {  	[tilespmem:s29+$0xFFFFFF80] =	vst v5;
	v5 =	vadd.f32 v6, v12;
	v6 =	vld.idx.msk [tilespmem:v21+s12+$0x0], $0xffff  }
0x1aa: {  	v11 =	vld.idx.msk [tilespmem:v22+s4+$0x0], $0xffff  }
0x1ab: {  	v4 =	vadd.f32 v4, v8;
	[tilespmem:s29+$0xFFFFFF90] =	vst v5;
	v5 =	vld.idx.msk [tilespmem:v23+s12+$0x0], $0xffff  }
0x1ac: {  	v8 =	vld.idx.msk [tilespmem:v24+s4+$0x0], $0xffff  }
0x1ad: {  	[tilespmem:s29+$0xFFFFFFA0] =	vst v4;
	v4 =	vadd.f32 v9, v7;
	v7 =	vld.idx.msk [tilespmem:v25+s12+$0x0], $0xffff  }
0x1ae: {  	v9 =	vld.idx.msk [tilespmem:v26+s4+$0x0], $0xffff  }
0x1af: {  	[tilespmem:s29+$0xFFFFFFB0] =	vst v4;
	v4 =	vadd.f32 v6, v10;
	v6 =	vld.idx.msk [tilespmem:v27+s12+$0x0], $0xffff  }
0x1b0: {  	v10 =	vld.idx.msk [tilespmem:v28+s4+$0x0], $0xffff  }
0x1b1: {  	[tilespmem:s29+$0xFFFFFFD0] =	vst v4;
	v4 =	vadd.f32 v5, v11;
	v5 =	vld.idx.msk [tilespmem:v29+s12+$0x0], $0xffff  }
0x1b2: {  	v11 =	vld.idx.msk [tilespmem:v30+s4+$0x0], $0xffff  }
0x1b3: {  	[tilespmem:s29+$0xFFFFFFE0] =	vst v4;
	v4 =	vadd.f32 v7, v8;
	v7 =	vld.idx.msk [tilespmem:v31+s12+$0x0], $0xffff  }
0x1b4: {  	v8 =	vld.idx.msk [tilespmem:v32+s4+$0x0], $0xffff  }
0x1b5: {  	[tilespmem:s29+$0xFFFFFFF0] =	vst v4;
	v4 =	vadd.f32 v6, v9;
	v6 =	vld.idx.msk [tilespmem:v33+s12+$0x0], $0xffff  }
0x1b6: {  	v9 =	vld.idx.msk [tilespmem:v34+s4+$0x0], $0xffff  }
0x1b7: {  	[tilespmem:s29+$0x0] =	vst v4;
	v4 =	vadd.f32 v5, v10;
	v5 =	vld.idx.msk [tilespmem:v35+s12+$0x0], $0xffff  }
0x1b8: {  	v10 =	vld.idx.msk [tilespmem:v36+s4+$0x0], $0xffff  }
0x1b9: {  	[tilespmem:s29+$0x10] =	vst v4;
	v4 =	vadd.f32 v7, v11;
	v7 =	vld.idx.msk [tilespmem:v37+s12+$0x0], $0xffff  }
0x1ba: {  	v11 =	vld.idx.msk [tilespmem:v38+s4+$0x0], $0xffff  }
0x1bb: {  	v6 =	vadd.f32 v6, v8;
	[tilespmem:s29+$0x20] =	vst v4;
	v12 =	vld.idx.msk [tilespmem:v39+s12+$0x0], $0xffff  }
0x1bc: {  	v4 =	vld.idx.msk [tilespmem:v40+s4+$0x0], $0xffff  }
.Ltmp1:
0x1bd: {  	v8 =	vadd.f32 v5, v9;
	[tilespmem:s29+$0x30] =	vst v6;
	v6 =	vld.idx.msk [tilespmem:v41+s12+$0x0], $0xffff;
	(pc) =	sbr.rel @p0 .LBB2_4-.Ltmp1, $4  }
0x1be: {  	v5 =	vld.idx.msk [tilespmem:v42+s4+$0x0], $0xffff  }
0x1bf: {  	v9 =	vadd.f32 v7, v10;
	[tilespmem:s29+$0x50] =	vst v8;
	v8 =	vld.idx.msk [tilespmem:v43+s12+$0x0], $0xffff  }
0x1c0: {  	v7 =	vld.idx.msk [tilespmem:v44+s4+$0x0], $0xffff  }
0x1c1: {  	v10 =	vadd.f32 v12, v11;
	[tilespmem:s29+$0x60] =	vst v9;
	v9 =	vld.idx.msk [tilespmem:v45+s12+$0x0], $0xffff  }
0x1c2: {  	_ =	sdelay $0x3  }
0x1c3: {  	v3 =	vld.idx.msk [tilespmem:v3+s4+$0x0], $0xffff  }
0x1c4: {  	v2 =	vld.idx.msk [tilespmem:v2+s12+$0x0], $0xffff  }
0x1c5: {  	v0 =	vld.idx.msk [tilespmem:v0+s4+$0x0], $0xffff  }
0x1c6: {  	v1 =	vld.idx.msk [tilespmem:v1+s12+$0x0], $0xffff  }
0x1c7: {  	v4 =	vadd.f32 v6, v4  }
0x1c8: {  	[tilespmem:s29+$0x70] =	vst v10;
	v5 =	vadd.f32 v8, v5  }
0x1c9: {  	[tilespmem:s29+$0x80] =	vst v4;
	v63 =	vadd.f32 v9, v7  }
0x1ca: {  	[tilespmem:s29+$0x90] =	vst v5;
	v2 =	vadd.f32 v2, v3  }
0x1cb: {  	v0 =	vadd.f32 v1, v0;
	[tilespmem:s29+$0xA0] =	vst v63  }
0x1cc: {  	[tilespmem:s24+$0x11500] =	vst v2  }
0x1cd: {  	[tilespmem:s24+$0x11580] =	vst v0  }
0x1ce: {  	s23 =	sadd.s32 $0x1, s23;
	_ =	swait.ge [sflag:s18], $0x2710  }
0x1cf: {  	p0 =	sne.s32 s23, s11;
	[sflag:s18] =	ssyncset.done $0x0  }
.Ltmp2:
0x1d0: {  	[sflag:s18] =	ssyncadd.s32 $0xFFFFD8F0;
	(pc) =	sbr.rel @p0 .LBB2_1-.Ltmp2, $4  }
0x1d1: {  	[hbm4b:s10+s4] =	stream.linear.scatter [tilespmem:s21], [sflag:$0x4], $0x2710, $0x38;
	[tilespmem:$0x13C00] =	vst v63  }
0x1d2: {  	_ =	swait.ge [sflag:s22], $0x2710  }
0x1d3: {  	[sflag:s22] =	ssyncset.done $0x0  }
0x1d4: {  	[sflag:s22] =	ssyncadd.s32 $0xFFFFD8F0  }
0x1d5: {  	_ =	sfence.sel $0x180000  }
0x1d6: {  	[bflag:$0x0] =	sbarrier.arrive $0xFFFF  }
0x1d7: {  	p0 =	sne.s32 s0, $0x0;
	_ =	strace $0x90000047  }
0x1d8: {  	s0 =	sadd.s32 @!p0 $0x100000, s2;
	[bflag:$0x2] =	sbarrier.arrive $0xFFFF  }
0x1d9: {  	[sflag:s0] =	ssyncadd.tile.s32 @!p0 $0x1;
	_ =	shalt  }
.Lfunc_end2:
_tile_overlayer_lowered:
.L_overlay_start_2:
0x1da: {  	(tag) =	ssettag $0x2  }
0x1db: {  	s0 =	rddreg [dreg:$0x0];
	s2 =	stileid.u32  }
0x1dc: {  	s1 =	rddreg [dreg:$0x1];
	p0 =	sne.s32 s2, $0x0  }
0x1dd: {  	s3 =	rddreg [dreg:$0x2];
	[bflag:$0x3] =	sbarrier.arrive $0xFFFF;
	s2 =	simm.s32 @!p0 $0x1C04  }
0x1de: {  	[timem:s3], [sflag:s2] =	dma.local @!p0 [hbm:s0], s1  }
0x1df: {  	s0 =	simm.s32 @!p0 $0x4  }
0x1e0: {  	_ =	swait.ge @!p0 [sflag:s0], s1  }
0x1e1: {  	s1 =	ssub.s32 @!p0 $0x0, s1;
	[sflag:s0] =	ssyncset.done @!p0 $0x0  }
0x1e2: {  	[sflag:s0] =	ssyncadd.s32 @!p0 s1  }
0x1e3: {  	[bflag:$0x3] =	sbarrier.arrive $0xFFFF  }
0x1e4: {  	_ =	shalt  }

</sc_bundles>
